<compile_context>
chip_gen: v7x
topology: tpu7x:2x2x1
jax: 0.10.2.dev20260603
libtpu: 0.0.44.dev20260713+nightly
codegen_flags: <defaults>
</compile_context>

<pallas_src>
import functools

import jax
import jax.numpy as jnp
from jax import lax
from jax.experimental import pallas as pl
from jax.experimental.pallas import tpu as pltpu
from jax.experimental.pallas import tpu_sc as plsc

N_FIELD = 13
VOCAB = 100000
EMB = 16
B = 16384
H1, H2 = 64, 32

NC = 2
NS = 16
IC = 8192
NIC = B // IC
GU = 32


def _sc_gather_body(utab, itab, uidx, iidx, uout, iout,
                    row_v, idx_v, out_v):
    c = lax.axis_index("c")
    s = lax.axis_index("s")

    def tower_work(tab, idx_hbm, out_hbm):
        def field_loop(f, carry):
            pltpu.sync_copy(tab.at[f, s], row_v)

            def chunk(ci, carry2):
                pltpu.sync_copy(idx_hbm.at[f, pl.ds(ci * IC, IC)], idx_v)

                def gloop(g, carry3):
                    base = g * (GU * 16)
                    for u in range(GU):
                        iv = idx_v[pl.ds(base + u * 16, 16)]
                        vals = plsc.load_gather(row_v, [iv])
                        out_v[pl.ds(base + u * 16, 16)] = vals
                    return carry3

                lax.fori_loop(0, IC // (GU * 16), gloop, 0, unroll=False)
                pltpu.sync_copy(out_v, out_hbm.at[f, s, pl.ds(ci * IC, IC)])
                return carry2

            lax.fori_loop(0, NIC, chunk, 0, unroll=False)
            return carry

        lax.fori_loop(0, N_FIELD, field_loop, 0, unroll=False)

    def user_branch():
        tower_work(utab, uidx, uout)

    def item_branch():
        tower_work(itab, iidx, iout)

    lax.cond(c == 0, user_branch, item_branch)


def _sc_gather(utabT, itabT, uidx, iidx):
    mesh = plsc.VectorSubcoreMesh(core_axis_name="c", subcore_axis_name="s")
    f = pl.kernel(
        _sc_gather_body,
        out_type=[
            jax.ShapeDtypeStruct((N_FIELD, EMB, B), jnp.float32),
            jax.ShapeDtypeStruct((N_FIELD, EMB, B), jnp.float32),
        ],
        mesh=mesh,
        scratch_types=[
            pltpu.VMEM((VOCAB,), jnp.float32),
            pltpu.VMEM((IC,), jnp.int32),
            pltpu.VMEM((IC,), jnp.float32),
        ],
        compiler_params=pltpu.CompilerParams(use_tc_tiling_on_sc=True,
                                             needs_layout_passes=False),
    )
    return f(utabT, itabT, uidx, iidx)


BB = 1024


def _tc_dnn_body(uemb, iemb, uW1T, ub1, uW2T, ub2, iW1T, ib1, iW2T, ib2,
                 out, acc):
    i = pl.program_id(0)

    @pl.when(i == 0)
    def _init():
        acc[0] = 0.0
        acc[1] = 0.0
        acc[2] = 0.0

    def tower(emb, W1T, b1, W2T, b2):
        e = emb[...].reshape(N_FIELD * EMB, BB)
        x = jnp.dot(W1T[...], e, preferred_element_type=jnp.float32)
        x = jnp.maximum(x + b1[...], 0.0)
        h = jnp.dot(W2T[...], x, preferred_element_type=jnp.float32)
        return jnp.maximum(h + b2[...], 0.0)

    u = tower(uemb, uW1T, ub1, uW2T, ub2)
    v = tower(iemb, iW1T, ib1, iW2T, ib2)

    acc[0] += jnp.sum(u * v)
    acc[1] += jnp.sum(u * u)
    acc[2] += jnp.sum(v * v)

    @pl.when(i == pl.num_programs(0) - 1)
    def _fin():
        cos = acc[0] / jnp.sqrt(acc[1] * acc[2])
        out[0, 0] = 1.0 / (1.0 + jnp.exp(-cos))


def _tc_dnn(uemb, iemb, uW1T, ub1, uW2T, ub2, iW1T, ib1, iW2T, ib2):
    nblk = B // BB
    emb_spec = pl.BlockSpec((N_FIELD, EMB, BB), lambda i: (0, 0, i))
    full = lambda shape: pl.BlockSpec(shape, lambda i: (0,) * len(shape))
    return pl.pallas_call(
        _tc_dnn_body,
        grid=(nblk,),
        in_specs=[
            emb_spec, emb_spec,
            full((H1, N_FIELD * EMB)), full((H1, 1)),
            full((H2, H1)), full((H2, 1)),
            full((H1, N_FIELD * EMB)), full((H1, 1)),
            full((H2, H1)), full((H2, 1)),
        ],
        out_specs=pl.BlockSpec((1, 1), lambda i: (0, 0),
                               memory_space=pltpu.SMEM),
        out_shape=jax.ShapeDtypeStruct((1, 1), jnp.float32),
        scratch_shapes=[pltpu.SMEM((3,), jnp.float32)],
        compiler_params=pltpu.CompilerParams(
            dimension_semantics=("arbitrary",)),
    )(uemb, iemb, uW1T, ub1, uW2T, ub2, iW1T, ib1, iW2T, ib2)


def kernel(user_indices, item_indices, user_tables, item_tables,
           user_W1, user_b1, user_W2, user_b2,
           item_W1, item_b1, item_W2, item_b2):
    utabT = jnp.transpose(user_tables, (0, 2, 1))
    itabT = jnp.transpose(item_tables, (0, 2, 1))

    uembT, iembT = _sc_gather(utabT, itabT, user_indices, item_indices)

    return _tc_dnn(uembT, iembT,
                   user_W1.T, user_b1.reshape(H1, 1),
                   user_W2.T, user_b2.reshape(H2, 1),
                   item_W1.T, item_b1.reshape(H1, 1),
                   item_W2.T, item_b2.reshape(H2, 1))

# --- scband reference (transcript-rebuilt; emitter-appended) ---
"""Pipeline reference for scband-dssm-11845519802804 (READ-ONLY COPY).

The authoritative reference and input builder live on the scoring server;
editing this copy changes nothing except your own understanding.
"""

import jax, jax.numpy as jnp
import numpy as np

N_USER = 13
N_ITEM = 13
VOCAB = 100000
EMB = 16
B = 16384
U_IN = N_USER * EMB
I_IN = N_ITEM * EMB
H1, H2 = 64, 32


def setup_inputs(seed: int = 0) -> dict:
    key = jax.random.key(seed)
    ks = jax.random.split(key, 10)
    user_indices = jax.random.randint(ks[0], (N_USER, B), 0, VOCAB, dtype=jnp.int32)
    item_indices = jax.random.randint(ks[1], (N_ITEM, B), 0, VOCAB, dtype=jnp.int32)
    # Keras 'random_uniform' embedding init: U(-0.05, 0.05)
    user_tables = jax.random.uniform(ks[2], (N_USER, VOCAB, EMB), minval=-0.05, maxval=0.05, dtype=jnp.float32)
    item_tables = jax.random.uniform(ks[3], (N_ITEM, VOCAB, EMB), minval=-0.05, maxval=0.05, dtype=jnp.float32)
    user_W1 = jax.random.normal(ks[4], (U_IN, H1), dtype=jnp.float32) * 0.05
    user_b1 = jnp.zeros((H1,), dtype=jnp.float32)
    user_W2 = jax.random.normal(ks[5], (H1, H2), dtype=jnp.float32) * 0.05
    user_b2 = jnp.zeros((H2,), dtype=jnp.float32)
    item_W1 = jax.random.normal(ks[6], (I_IN, H1), dtype=jnp.float32) * 0.05
    item_b1 = jnp.zeros((H1,), dtype=jnp.float32)
    item_W2 = jax.random.normal(ks[7], (H1, H2), dtype=jnp.float32) * 0.05
    item_b2 = jnp.zeros((H2,), dtype=jnp.float32)
    return {
        "user_indices": user_indices,
        "item_indices": item_indices,
        "user_tables": user_tables,
        "item_tables": item_tables,
        "user_W1": user_W1, "user_b1": user_b1,
        "user_W2": user_W2, "user_b2": user_b2,
        "item_W1": item_W1, "item_b1": item_b1,
        "item_W2": item_W2, "item_b2": item_b2,
    }


def _tower(indices, tables, W1, b1, W2, b2):
    # per-field embedding lookup: [F, B, EMB]
    embs = jax.vmap(lambda t, i: jnp.take(t, i, axis=0))(tables, indices)
    # concat along feature dim (same ordering as tf.concat of per-feature embeds)
    x = jnp.transpose(embs, (1, 0, 2)).reshape(B, -1)
    x = jax.nn.relu(x @ W1 + b1)
    x = jax.nn.relu(x @ W2 + b2)
    return x


def reference(user_indices, item_indices, user_tables, item_tables,
              user_W1, user_b1, user_W2, user_b2,
              item_W1, item_b1, item_W2, item_b2):
    user_out = _tower(user_indices, user_tables, user_W1, user_b1, user_W2, user_b2)
    item_out = _tower(item_indices, item_tables, item_W1, item_b1, item_W2, item_b2)
    # cosine_similarity flattens the whole batch tensors into single vectors
    t1 = item_out.reshape(-1)
    t2 = user_out.reshape(-1)
    t1_norm = jnp.sqrt(jnp.sum(jnp.square(t1)))
    t2_norm = jnp.sqrt(jnp.sum(jnp.square(t2)))
    cos = jnp.sum(t1 * t2) / (t1_norm * t2_norm)
    return jnp.reshape(jax.nn.sigmoid(cos), (-1, 1))

if __name__ == "__main__":
    import jax
    _d = setup_inputs()
    print(jax.jit(kernel)(*tuple(_d.values())))

</pallas_src>

<mosaic_0001>
#map = affine_map<(d0, d1) -> (0, 0, 0)>
#map1 = affine_map<(d0, d1) -> (0, 0)>
module attributes {stable_mosaic.version = 14 : i64} {
  func.func @_sc_gather_body(%arg0: i32, %arg1: i32, %arg2: memref<13x16x100000xf32, #tpu.memory_space<hbm>>, %arg3: memref<13x16x100000xf32, #tpu.memory_space<hbm>>, %arg4: memref<13x16384xi32, #tpu.memory_space<hbm>>, %arg5: memref<13x16384xi32, #tpu.memory_space<hbm>>, %arg6: memref<13x16x16384xf32, #tpu.memory_space<hbm>>, %arg7: memref<13x16x16384xf32, #tpu.memory_space<hbm>>, %arg8: memref<100000xf32, #tpu.memory_space<vmem>>, %arg9: memref<8192xi32, #tpu.memory_space<vmem>>, %arg10: memref<8192xf32, #tpu.memory_space<vmem>>) attributes {dimension_semantics = [#tpu.dimension_semantics<core_parallel>, #tpu.dimension_semantics<subcore_parallel>], iteration_bounds = array<i64: 2, 16>, scalar_prefetch = 0 : i64, scratch_operands = 3 : i64, tpu.core_type = #tpu.core_type<sc_vector_subcore>, window_params = [{transform_indices = #map}, {transform_indices = #map}, {transform_indices = #map1}, {transform_indices = #map1}, {transform_indices = #map}, {transform_indices = #map}]} {
    %eq3A = arith.constant 0 : i32
    %eq3A_0 = arith.cmpi eq, %arg0, %eq3A : i32
    %convert_element_type3A = arith.extui %eq3A_0 : i1 to i32
    %cond3A = arith.constant 0 : i32
    %cond3A_1 = arith.cmpi ne, %convert_element_type3A, %cond3A : i32
    scf.if %cond3A_1 {
      %scan3A = arith.constant 0 : i32
      %scan3A_2 = arith.constant 0 : i32
      %scan3A_3 = arith.constant 13 : i32
      %scan3A_4 = arith.addi %scan3A_2, %scan3A_3 : i32
      %scan3A_5 = arith.constant 1 : i32
      scf.for %scan3A_7 = %scan3A_2 to %scan3A_4 step %scan3A_5  : i32 {
        "tpu.region"() ({
          %run_scoped3A = tpu.sem_alloc : memref<!tpu.dma_semaphore, #tpu.memory_space<semaphore_mem>>
          %dma_start3A = arith.constant 0 : i32
          %dma_start3A_14 = tpu.memref_slice %arg2[%scan3A_7, %arg1, %dma_start3A] : memref<13x16x100000xf32, #tpu.memory_space<hbm>> -> memref<1x1x100000xf32, #tpu.memory_space<hbm>>
          %dma_start3A_15 = tpu.memref_squeeze %dma_start3A_14 : memref<1x1x100000xf32, #tpu.memory_space<hbm>> -> memref<100000xf32, #tpu.memory_space<hbm>>
          %dma_start3A_16 = arith.constant 0 : i32
          %dma_start3A_17 = tpu.memref_slice %arg2[%scan3A_7, %arg1, %dma_start3A_16] : memref<13x16x100000xf32, #tpu.memory_space<hbm>> -> memref<1x1x100000xf32, #tpu.memory_space<hbm>>
          %dma_start3A_18 = tpu.memref_squeeze %dma_start3A_17 : memref<1x1x100000xf32, #tpu.memory_space<hbm>> -> memref<100000xf32, #tpu.memory_space<hbm>>
          tpu.enqueue_dma source(%dma_start3A_18 : memref<100000xf32, #tpu.memory_space<hbm>>) target(%arg8 : memref<100000xf32, #tpu.memory_space<vmem>>) target_semaphore(%run_scoped3A : memref<!tpu.dma_semaphore, #tpu.memory_space<semaphore_mem>>)
          %dma_wait3A = arith.constant 0 : i32
          %dma_wait3A_19 = tpu.memref_slice %arg2[%scan3A_7, %arg1, %dma_wait3A] : memref<13x16x100000xf32, #tpu.memory_space<hbm>> -> memref<1x1x100000xf32, #tpu.memory_space<hbm>>
          %dma_wait3A_20 = tpu.memref_squeeze %dma_wait3A_19 : memref<1x1x100000xf32, #tpu.memory_space<hbm>> -> memref<100000xf32, #tpu.memory_space<hbm>>
          %dma_wait3A_21 = arith.constant 0 : i32
          %dma_wait3A_22 = tpu.memref_slice %arg2[%scan3A_7, %arg1, %dma_wait3A_21] : memref<13x16x100000xf32, #tpu.memory_space<hbm>> -> memref<1x1x100000xf32, #tpu.memory_space<hbm>>
          %dma_wait3A_23 = tpu.memref_squeeze %dma_wait3A_22 : memref<1x1x100000xf32, #tpu.memory_space<hbm>> -> memref<100000xf32, #tpu.memory_space<hbm>>
          tpu.wait_dma2 semaphore(%run_scoped3A : memref<!tpu.dma_semaphore, #tpu.memory_space<semaphore_mem>>) src(%dma_wait3A_23 : memref<100000xf32, #tpu.memory_space<hbm>>) dst(%arg8 : memref<100000xf32, #tpu.memory_space<vmem>>)
          tpu.yield
        }) : () -> ()
        %scan3A_8 = arith.constant 0 : i32
        %scan3A_9 = arith.constant 0 : i32
        %scan3A_10 = arith.constant 2 : i32
        %scan3A_11 = arith.addi %scan3A_9, %scan3A_10 : i32
        %scan3A_12 = arith.constant 1 : i32
        scf.for %scan3A_14 = %scan3A_9 to %scan3A_11 step %scan3A_12  : i32 {
          %mul3A = arith.constant 8192 : i32
          %mul3A_15 = arith.muli %scan3A_14, %mul3A : i32
          "tpu.region"() ({
            %run_scoped3A = tpu.sem_alloc : memref<!tpu.dma_semaphore, #tpu.memory_space<semaphore_mem>>
            %dma_start3A = tpu.memref_slice %arg4[%scan3A_7, %mul3A_15] : memref<13x16384xi32, #tpu.memory_space<hbm>> -> memref<1x8192xi32, #tpu.memory_space<hbm>>
            %dma_start3A_24 = tpu.memref_squeeze %dma_start3A : memref<1x8192xi32, #tpu.memory_space<hbm>> -> memref<8192xi32, #tpu.memory_space<hbm>>
            %dma_start3A_25 = tpu.memref_slice %arg4[%scan3A_7, %mul3A_15] : memref<13x16384xi32, #tpu.memory_space<hbm>> -> memref<1x8192xi32, #tpu.memory_space<hbm>>
            %dma_start3A_26 = tpu.memref_squeeze %dma_start3A_25 : memref<1x8192xi32, #tpu.memory_space<hbm>> -> memref<8192xi32, #tpu.memory_space<hbm>>
            tpu.enqueue_dma source(%dma_start3A_26 : memref<8192xi32, #tpu.memory_space<hbm>>) target(%arg9 : memref<8192xi32, #tpu.memory_space<vmem>>) target_semaphore(%run_scoped3A : memref<!tpu.dma_semaphore, #tpu.memory_space<semaphore_mem>>)
            %dma_wait3A = tpu.memref_slice %arg4[%scan3A_7, %mul3A_15] : memref<13x16384xi32, #tpu.memory_space<hbm>> -> memref<1x8192xi32, #tpu.memory_space<hbm>>
            %dma_wait3A_27 = tpu.memref_squeeze %dma_wait3A : memref<1x8192xi32, #tpu.memory_space<hbm>> -> memref<8192xi32, #tpu.memory_space<hbm>>
            %dma_wait3A_28 = tpu.memref_slice %arg4[%scan3A_7, %mul3A_15] : memref<13x16384xi32, #tpu.memory_space<hbm>> -> memref<1x8192xi32, #tpu.memory_space<hbm>>
            %dma_wait3A_29 = tpu.memref_squeeze %dma_wait3A_28 : memref<1x8192xi32, #tpu.memory_space<hbm>> -> memref<8192xi32, #tpu.memory_space<hbm>>
            tpu.wait_dma2 semaphore(%run_scoped3A : memref<!tpu.dma_semaphore, #tpu.memory_space<semaphore_mem>>) src(%dma_wait3A_29 : memref<8192xi32, #tpu.memory_space<hbm>>) dst(%arg9 : memref<8192xi32, #tpu.memory_space<vmem>>)
            tpu.yield
          }) : () -> ()
          %scan3A_16 = arith.constant 0 : i32
          %scan3A_17 = arith.constant 0 : i32
          %scan3A_18 = arith.constant 16 : i32
          %scan3A_19 = arith.addi %scan3A_17, %scan3A_18 : i32
          %scan3A_20 = arith.constant 1 : i32
          scf.for %scan3A_24 = %scan3A_17 to %scan3A_19 step %scan3A_20  : i32 {
            %mul3A_25 = arith.constant 512 : i32
            %mul3A_26 = arith.muli %scan3A_24, %mul3A_25 : i32
            %add3A = arith.constant 0 : i32
            %add3A_27 = arith.addi %mul3A_26, %add3A : i32
            %get3A = arith.index_cast %add3A_27 : i32 to index
            %get3A_28 = tpu.vector_load %arg9[%get3A] {strides = array<i32>} : memref<8192xi32, #tpu.memory_space<vmem>>, vector<16xi32>,
            %gather3A = tpu.vector_load_idx %arg8[%get3A_28] : memref<100000xf32, #tpu.memory_space<vmem>>[vector<16xi32>], vector<16xf32>,
            %add3A_29 = arith.constant 0 : i32
            %add3A_30 = arith.addi %mul3A_26, %add3A_29 : i32
            %swap3A = arith.index_cast %add3A_30 : i32 to index
            %swap3A_31 = tpu.vector_load %arg10[%swap3A] {strides = array<i32>} : memref<8192xf32, #tpu.memory_space<vmem>>, vector<16xf32>,
            tpu.vector_store %arg10[%swap3A], %gather3A {strides = array<i32>} : memref<8192xf32, #tpu.memory_space<vmem>>, vector<16xf32>,
            %add3A_32 = arith.constant 16 : i32
            %add3A_33 = arith.addi %mul3A_26, %add3A_32 : i32
            %get3A_34 = arith.index_cast %add3A_33 : i32 to index
            %get3A_35 = tpu.vector_load %arg9[%get3A_34] {strides = array<i32>} : memref<8192xi32, #tpu.memory_space<vmem>>, vector<16xi32>,
            %gather3A_36 = tpu.vector_load_idx %arg8[%get3A_35] : memref<100000xf32, #tpu.memory_space<vmem>>[vector<16xi32>], vector<16xf32>,
            %add3A_37 = arith.constant 16 : i32
            %add3A_38 = arith.addi %mul3A_26, %add3A_37 : i32
            %swap3A_39 = arith.index_cast %add3A_38 : i32 to index
            %swap3A_40 = tpu.vector_load %arg10[%swap3A_39] {strides = array<i32>} : memref<8192xf32, #tpu.memory_space<vmem>>, vector<16xf32>,
            tpu.vector_store %arg10[%swap3A_39], %gather3A_36 {strides = array<i32>} : memref<8192xf32, #tpu.memory_space<vmem>>, vector<16xf32>,
            %add3A_41 = arith.constant 32 : i32
            %add3A_42 = arith.addi %mul3A_26, %add3A_41 : i32
            %get3A_43 = arith.index_cast %add3A_42 : i32 to index
            %get3A_44 = tpu.vector_load %arg9[%get3A_43] {strides = array<i32>} : memref<8192xi32, #tpu.memory_space<vmem>>, vector<16xi32>,
            %gather3A_45 = tpu.vector_load_idx %arg8[%get3A_44] : memref<100000xf32, #tpu.memory_space<vmem>>[vector<16xi32>], vector<16xf32>,
            %add3A_46 = arith.constant 32 : i32
            %add3A_47 = arith.addi %mul3A_26, %add3A_46 : i32
            %swap3A_48 = arith.index_cast %add3A_47 : i32 to index
            %swap3A_49 = tpu.vector_load %arg10[%swap3A_48] {strides = array<i32>} : memref<8192xf32, #tpu.memory_space<vmem>>, vector<16xf32>,
            tpu.vector_store %arg10[%swap3A_48], %gather3A_45 {strides = array<i32>} : memref<8192xf32, #tpu.memory_space<vmem>>, vector<16xf32>,
            %add3A_50 = arith.constant 48 : i32
            %add3A_51 = arith.addi %mul3A_26, %add3A_50 : i32
            %get3A_52 = arith.index_cast %add3A_51 : i32 to index
            %get3A_53 = tpu.vector_load %arg9[%get3A_52] {strides = array<i32>} : memref<8192xi32, #tpu.memory_space<vmem>>, vector<16xi32>,
            %gather3A_54 = tpu.vector_load_idx %arg8[%get3A_53] : memref<100000xf32, #tpu.memory_space<vmem>>[vector<16xi32>], vector<16xf32>,
            %add3A_55 = arith.constant 48 : i32
            %add3A_56 = arith.addi %mul3A_26, %add3A_55 : i32
            %swap3A_57 = arith.index_cast %add3A_56 : i32 to index
            %swap3A_58 = tpu.vector_load %arg10[%swap3A_57] {strides = array<i32>} : memref<8192xf32, #tpu.memory_space<vmem>>, vector<16xf32>,
            tpu.vector_store %arg10[%swap3A_57], %gather3A_54 {strides = array<i32>} : memref<8192xf32, #tpu.memory_space<vmem>>, vector<16xf32>,
            %add3A_59 = arith.constant 64 : i32
            %add3A_60 = arith.addi %mul3A_26, %add3A_59 : i32
            %get3A_61 = arith.index_cast %add3A_60 : i32 to index
            %get3A_62 = tpu.vector_load %arg9[%get3A_61] {strides = array<i32>} : memref<8192xi32, #tpu.memory_space<vmem>>, vector<16xi32>,
            %gather3A_63 = tpu.vector_load_idx %arg8[%get3A_62] : memref<100000xf32, #tpu.memory_space<vmem>>[vector<16xi32>], vector<16xf32>,
            %add3A_64 = arith.constant 64 : i32
            %add3A_65 = arith.addi %mul3A_26, %add3A_64 : i32
            %swap3A_66 = arith.index_cast %add3A_65 : i32 to index
            %swap3A_67 = tpu.vector_load %arg10[%swap3A_66] {strides = array<i32>} : memref<8192xf32, #tpu.memory_space<vmem>>, vector<16xf32>,
            tpu.vector_store %arg10[%swap3A_66], %gather3A_63 {strides = array<i32>} : memref<8192xf32, #tpu.memory_space<vmem>>, vector<16xf32>,
            %add3A_68 = arith.constant 80 : i32
            %add3A_69 = arith.addi %mul3A_26, %add3A_68 : i32
            %get3A_70 = arith.index_cast %add3A_69 : i32 to index
            %get3A_71 = tpu.vector_load %arg9[%get3A_70] {strides = array<i32>} : memref<8192xi32, #tpu.memory_space<vmem>>, vector<16xi32>,
            %gather3A_72 = tpu.vector_load_idx %arg8[%get3A_71] : memref<100000xf32, #tpu.memory_space<vmem>>[vector<16xi32>], vector<16xf32>,
            %add3A_73 = arith.constant 80 : i32
            %add3A_74 = arith.addi %mul3A_26, %add3A_73 : i32
            %swap3A_75 = arith.index_cast %add3A_74 : i32 to index
            %swap3A_76 = tpu.vector_load %arg10[%swap3A_75] {strides = array<i32>} : memref<8192xf32, #tpu.memory_space<vmem>>, vector<16xf32>,
            tpu.vector_store %arg10[%swap3A_75], %gather3A_72 {strides = array<i32>} : memref<8192xf32, #tpu.memory_space<vmem>>, vector<16xf32>,
            %add3A_77 = arith.constant 96 : i32
            %add3A_78 = arith.addi %mul3A_26, %add3A_77 : i32
            %get3A_79 = arith.index_cast %add3A_78 : i32 to index
            %get3A_80 = tpu.vector_load %arg9[%get3A_79] {strides = array<i32>} : memref<8192xi32, #tpu.memory_space<vmem>>, vector<16xi32>,
            %gather3A_81 = tpu.vector_load_idx %arg8[%get3A_80] : memref<100000xf32, #tpu.memory_space<vmem>>[vector<16xi32>], vector<16xf32>,
            %add3A_82 = arith.constant 96 : i32
            %add3A_83 = arith.addi %mul3A_26, %add3A_82 : i32
            %swap3A_84 = arith.index_cast %add3A_83 : i32 to index
            %swap3A_85 = tpu.vector_load %arg10[%swap3A_84] {strides = array<i32>} : memref<8192xf32, #tpu.memory_space<vmem>>, vector<16xf32>,
            tpu.vector_store %arg10[%swap3A_84], %gather3A_81 {strides = array<i32>} : memref<8192xf32, #tpu.memory_space<vmem>>, vector<16xf32>,
            %add3A_86 = arith.constant 112 : i32
            %add3A_87 = arith.addi %mul3A_26, %add3A_86 : i32
            %get3A_88 = arith.index_cast %add3A_87 : i32 to index
            %get3A_89 = tpu.vector_load %arg9[%get3A_88] {strides = array<i32>} : memref<8192xi32, #tpu.memory_space<vmem>>, vector<16xi32>,
            %gather3A_90 = tpu.vector_load_idx %arg8[%get3A_89] : memref<100000xf32, #tpu.memory_space<vmem>>[vector<16xi32>], vector<16xf32>,
            %add3A_91 = arith.constant 112 : i32
            %add3A_92 = arith.addi %mul3A_26, %add3A_91 : i32
            %swap3A_93 = arith.index_cast %add3A_92 : i32 to index
            %swap3A_94 = tpu.vector_load %arg10[%swap3A_93] {strides = array<i32>} : memref<8192xf32, #tpu.memory_space<vmem>>, vector<16xf32>,
            tpu.vector_store %arg10[%swap3A_93], %gather3A_90 {strides = array<i32>} : memref<8192xf32, #tpu.memory_space<vmem>>, vector<16xf32>,
            %add3A_95 = arith.constant 128 : i32
            %add3A_96 = arith.addi %mul3A_26, %add3A_95 : i32
            %get3A_97 = arith.index_cast %add3A_96 : i32 to index
            %get3A_98 = tpu.vector_load %arg9[%get3A_97] {strides = array<i32>} : memref<8192xi32, #tpu.memory_space<vmem>>, vector<16xi32>,
            %gather3A_99 = tpu.vector_load_idx %arg8[%get3A_98] : memref<100000xf32, #tpu.memory_space<vmem>>[vector<16xi32>], vector<16xf32>,
            %add3A_100 = arith.constant 128 : i32
            %add3A_101 = arith.addi %mul3A_26, %add3A_100 : i32
            %swap3A_102 = arith.index_cast %add3A_101 : i32 to index
            %swap3A_103 = tpu.vector_load %arg10[%swap3A_102] {strides = array<i32>} : memref<8192xf32, #tpu.memory_space<vmem>>, vector<16xf32>,
            tpu.vector_store %arg10[%swap3A_102], %gather3A_99 {strides = array<i32>} : memref<8192xf32, #tpu.memory_space<vmem>>, vector<16xf32>,
            %add3A_104 = arith.constant 144 : i32
            %add3A_105 = arith.addi %mul3A_26, %add3A_104 : i32
            %get3A_106 = arith.index_cast %add3A_105 : i32 to index
            %get3A_107 = tpu.vector_load %arg9[%get3A_106] {strides = array<i32>} : memref<8192xi32, #tpu.memory_space<vmem>>, vector<16xi32>,
            %gather3A_108 = tpu.vector_load_idx %arg8[%get3A_107] : memref<100000xf32, #tpu.memory_space<vmem>>[vector<16xi32>], vector<16xf32>,
            %add3A_109 = arith.constant 144 : i32
            %add3A_110 = arith.addi %mul3A_26, %add3A_109 : i32
            %swap3A_111 = arith.index_cast %add3A_110 : i32 to index
            %swap3A_112 = tpu.vector_load %arg10[%swap3A_111] {strides = array<i32>} : memref<8192xf32, #tpu.memory_space<vmem>>, vector<16xf32>,
            tpu.vector_store %arg10[%swap3A_111], %gather3A_108 {strides = array<i32>} : memref<8192xf32, #tpu.memory_space<vmem>>, vector<16xf32>,
            %add3A_113 = arith.constant 160 : i32
            %add3A_114 = arith.addi %mul3A_26, %add3A_113 : i32
            %get3A_115 = arith.index_cast %add3A_114 : i32 to index
            %get3A_116 = tpu.vector_load %arg9[%get3A_115] {strides = array<i32>} : memref<8192xi32, #tpu.memory_space<vmem>>, vector<16xi32>,
            %gather3A_117 = tpu.vector_load_idx %arg8[%get3A_116] : memref<100000xf32, #tpu.memory_space<vmem>>[vector<16xi32>], vector<16xf32>,
            %add3A_118 = arith.constant 160 : i32
            %add3A_119 = arith.addi %mul3A_26, %add3A_118 : i32
            %swap3A_120 = arith.index_cast %add3A_119 : i32 to index
            %swap3A_121 = tpu.vector_load %arg10[%swap3A_120] {strides = array<i32>} : memref<8192xf32, #tpu.memory_space<vmem>>, vector<16xf32>,
            tpu.vector_store %arg10[%swap3A_120], %gather3A_117 {strides = array<i32>} : memref<8192xf32, #tpu.memory_space<vmem>>, vector<16xf32>,
            %add3A_122 = arith.constant 176 : i32
            %add3A_123 = arith.addi %mul3A_26, %add3A_122 : i32
            %get3A_124 = arith.index_cast %add3A_123 : i32 to index
            %get3A_125 = tpu.vector_load %arg9[%get3A_124] {strides = array<i32>} : memref<8192xi32, #tpu.memory_space<vmem>>, vector<16xi32>,
            %gather3A_126 = tpu.vector_load_idx %arg8[%get3A_125] : memref<100000xf32, #tpu.memory_space<vmem>>[vector<16xi32>], vector<16xf32>,
            %add3A_127 = arith.constant 176 : i32
            %add3A_128 = arith.addi %mul3A_26, %add3A_127 : i32
            %swap3A_129 = arith.index_cast %add3A_128 : i32 to index
            %swap3A_130 = tpu.vector_load %arg10[%swap3A_129] {strides = array<i32>} : memref<8192xf32, #tpu.memory_space<vmem>>, vector<16xf32>,
            tpu.vector_store %arg10[%swap3A_129], %gather3A_126 {strides = array<i32>} : memref<8192xf32, #tpu.memory_space<vmem>>, vector<16xf32>,
            %add3A_131 = arith.constant 192 : i32
            %add3A_132 = arith.addi %mul3A_26, %add3A_131 : i32
            %get3A_133 = arith.index_cast %add3A_132 : i32 to index
            %get3A_134 = tpu.vector_load %arg9[%get3A_133] {strides = array<i32>} : memref<8192xi32, #tpu.memory_space<vmem>>, vector<16xi32>,
            %gather3A_135 = tpu.vector_load_idx %arg8[%get3A_134] : memref<100000xf32, #tpu.memory_space<vmem>>[vector<16xi32>], vector<16xf32>,
            %add3A_136 = arith.constant 192 : i32
            %add3A_137 = arith.addi %mul3A_26, %add3A_136 : i32
            %swap3A_138 = arith.index_cast %add3A_137 : i32 to index
            %swap3A_139 = tpu.vector_load %arg10[%swap3A_138] {strides = array<i32>} : memref<8192xf32, #tpu.memory_space<vmem>>, vector<16xf32>,
            tpu.vector_store %arg10[%swap3A_138], %gather3A_135 {strides = array<i32>} : memref<8192xf32, #tpu.memory_space<vmem>>, vector<16xf32>,
            %add3A_140 = arith.constant 208 : i32
            %add3A_141 = arith.addi %mul3A_26, %add3A_140 : i32
            %get3A_142 = arith.index_cast %add3A_141 : i32 to index
            %get3A_143 = tpu.vector_load %arg9[%get3A_142] {strides = array<i32>} : memref<8192xi32, #tpu.memory_space<vmem>>, vector<16xi32>,
            %gather3A_144 = tpu.vector_load_idx %arg8[%get3A_143] : memref<100000xf32, #tpu.memory_space<vmem>>[vector<16xi32>], vector<16xf32>,
            %add3A_145 = arith.constant 208 : i32
            %add3A_146 = arith.addi %mul3A_26, %add3A_145 : i32
            %swap3A_147 = arith.index_cast %add3A_146 : i32 to index
            %swap3A_148 = tpu.vector_load %arg10[%swap3A_147] {strides = array<i32>} : memref<8192xf32, #tpu.memory_space<vmem>>, vector<16xf32>,
            tpu.vector_store %arg10[%swap3A_147], %gather3A_144 {strides = array<i32>} : memref<8192xf32, #tpu.memory_space<vmem>>, vector<16xf32>,
            %add3A_149 = arith.constant 224 : i32
            %add3A_150 = arith.addi %mul3A_26, %add3A_149 : i32
            %get3A_151 = arith.index_cast %add3A_150 : i32 to index
            %get3A_152 = tpu.vector_load %arg9[%get3A_151] {strides = array<i32>} : memref<8192xi32, #tpu.memory_space<vmem>>, vector<16xi32>,
            %gather3A_153 = tpu.vector_load_idx %arg8[%get3A_152] : memref<100000xf32, #tpu.memory_space<vmem>>[vector<16xi32>], vector<16xf32>,
            %add3A_154 = arith.constant 224 : i32
            %add3A_155 = arith.addi %mul3A_26, %add3A_154 : i32
            %swap3A_156 = arith.index_cast %add3A_155 : i32 to index
            %swap3A_157 = tpu.vector_load %arg10[%swap3A_156] {strides = array<i32>} : memref<8192xf32, #tpu.memory_space<vmem>>, vector<16xf32>,
            tpu.vector_store %arg10[%swap3A_156], %gather3A_153 {strides = array<i32>} : memref<8192xf32, #tpu.memory_space<vmem>>, vector<16xf32>,
            %add3A_158 = arith.constant 240 : i32
            %add3A_159 = arith.addi %mul3A_26, %add3A_158 : i32
            %get3A_160 = arith.index_cast %add3A_159 : i32 to index
            %get3A_161 = tpu.vector_load %arg9[%get3A_160] {strides = array<i32>} : memref<8192xi32, #tpu.memory_space<vmem>>, vector<16xi32>,
            %gather3A_162 = tpu.vector_load_idx %arg8[%get3A_161] : memref<100000xf32, #tpu.memory_space<vmem>>[vector<16xi32>], vector<16xf32>,
            %add3A_163 = arith.constant 240 : i32
            %add3A_164 = arith.addi %mul3A_26, %add3A_163 : i32
            %swap3A_165 = arith.index_cast %add3A_164 : i32 to index
            %swap3A_166 = tpu.vector_load %arg10[%swap3A_165] {strides = array<i32>} : memref<8192xf32, #tpu.memory_space<vmem>>, vector<16xf32>,
            tpu.vector_store %arg10[%swap3A_165], %gather3A_162 {strides = array<i32>} : memref<8192xf32, #tpu.memory_space<vmem>>, vector<16xf32>,
            %add3A_167 = arith.constant 256 : i32
            %add3A_168 = arith.addi %mul3A_26, %add3A_167 : i32
            %get3A_169 = arith.index_cast %add3A_168 : i32 to index
            %get3A_170 = tpu.vector_load %arg9[%get3A_169] {strides = array<i32>} : memref<8192xi32, #tpu.memory_space<vmem>>, vector<16xi32>,
            %gather3A_171 = tpu.vector_load_idx %arg8[%get3A_170] : memref<100000xf32, #tpu.memory_space<vmem>>[vector<16xi32>], vector<16xf32>,
            %add3A_172 = arith.constant 256 : i32
            %add3A_173 = arith.addi %mul3A_26, %add3A_172 : i32
            %swap3A_174 = arith.index_cast %add3A_173 : i32 to index
            %swap3A_175 = tpu.vector_load %arg10[%swap3A_174] {strides = array<i32>} : memref<8192xf32, #tpu.memory_space<vmem>>, vector<16xf32>,
            tpu.vector_store %arg10[%swap3A_174], %gather3A_171 {strides = array<i32>} : memref<8192xf32, #tpu.memory_space<vmem>>, vector<16xf32>,
            %add3A_176 = arith.constant 272 : i32
            %add3A_177 = arith.addi %mul3A_26, %add3A_176 : i32
            %get3A_178 = arith.index_cast %add3A_177 : i32 to index
            %get3A_179 = tpu.vector_load %arg9[%get3A_178] {strides = array<i32>} : memref<8192xi32, #tpu.memory_space<vmem>>, vector<16xi32>,
            %gather3A_180 = tpu.vector_load_idx %arg8[%get3A_179] : memref<100000xf32, #tpu.memory_space<vmem>>[vector<16xi32>], vector<16xf32>,
            %add3A_181 = arith.constant 272 : i32
            %add3A_182 = arith.addi %mul3A_26, %add3A_181 : i32
            %swap3A_183 = arith.index_cast %add3A_182 : i32 to index
            %swap3A_184 = tpu.vector_load %arg10[%swap3A_183] {strides = array<i32>} : memref<8192xf32, #tpu.memory_space<vmem>>, vector<16xf32>,
            tpu.vector_store %arg10[%swap3A_183], %gather3A_180 {strides = array<i32>} : memref<8192xf32, #tpu.memory_space<vmem>>, vector<16xf32>,
            %add3A_185 = arith.constant 288 : i32
            %add3A_186 = arith.addi %mul3A_26, %add3A_185 : i32
            %get3A_187 = arith.index_cast %add3A_186 : i32 to index
            %get3A_188 = tpu.vector_load %arg9[%get3A_187] {strides = array<i32>} : memref<8192xi32, #tpu.memory_space<vmem>>, vector<16xi32>,
            %gather3A_189 = tpu.vector_load_idx %arg8[%get3A_188] : memref<100000xf32, #tpu.memory_space<vmem>>[vector<16xi32>], vector<16xf32>,
            %add3A_190 = arith.constant 288 : i32
            %add3A_191 = arith.addi %mul3A_26, %add3A_190 : i32
            %swap3A_192 = arith.index_cast %add3A_191 : i32 to index
            %swap3A_193 = tpu.vector_load %arg10[%swap3A_192] {strides = array<i32>} : memref<8192xf32, #tpu.memory_space<vmem>>, vector<16xf32>,
            tpu.vector_store %arg10[%swap3A_192], %gather3A_189 {strides = array<i32>} : memref<8192xf32, #tpu.memory_space<vmem>>, vector<16xf32>,
            %add3A_194 = arith.constant 304 : i32
            %add3A_195 = arith.addi %mul3A_26, %add3A_194 : i32
            %get3A_196 = arith.index_cast %add3A_195 : i32 to index
            %get3A_197 = tpu.vector_load %arg9[%get3A_196] {strides = array<i32>} : memref<8192xi32, #tpu.memory_space<vmem>>, vector<16xi32>,
            %gather3A_198 = tpu.vector_load_idx %arg8[%get3A_197] : memref<100000xf32, #tpu.memory_space<vmem>>[vector<16xi32>], vector<16xf32>,
            %add3A_199 = arith.constant 304 : i32
            %add3A_200 = arith.addi %mul3A_26, %add3A_199 : i32
            %swap3A_201 = arith.index_cast %add3A_200 : i32 to index
            %swap3A_202 = tpu.vector_load %arg10[%swap3A_201] {strides = array<i32>} : memref<8192xf32, #tpu.memory_space<vmem>>, vector<16xf32>,
            tpu.vector_store %arg10[%swap3A_201], %gather3A_198 {strides = array<i32>} : memref<8192xf32, #tpu.memory_space<vmem>>, vector<16xf32>,
            %add3A_203 = arith.constant 320 : i32
            %add3A_204 = arith.addi %mul3A_26, %add3A_203 : i32
            %get3A_205 = arith.index_cast %add3A_204 : i32 to index
            %get3A_206 = tpu.vector_load %arg9[%get3A_205] {strides = array<i32>} : memref<8192xi32, #tpu.memory_space<vmem>>, vector<16xi32>,
            %gather3A_207 = tpu.vector_load_idx %arg8[%get3A_206] : memref<100000xf32, #tpu.memory_space<vmem>>[vector<16xi32>], vector<16xf32>,
            %add3A_208 = arith.constant 320 : i32
            %add3A_209 = arith.addi %mul3A_26, %add3A_208 : i32
            %swap3A_210 = arith.index_cast %add3A_209 : i32 to index
            %swap3A_211 = tpu.vector_load %arg10[%swap3A_210] {strides = array<i32>} : memref<8192xf32, #tpu.memory_space<vmem>>, vector<16xf32>,
            tpu.vector_store %arg10[%swap3A_210], %gather3A_207 {strides = array<i32>} : memref<8192xf32, #tpu.memory_space<vmem>>, vector<16xf32>,
            %add3A_212 = arith.constant 336 : i32
            %add3A_213 = arith.addi %mul3A_26, %add3A_212 : i32
            %get3A_214 = arith.index_cast %add3A_213 : i32 to index
            %get3A_215 = tpu.vector_load %arg9[%get3A_214] {strides = array<i32>} : memref<8192xi32, #tpu.memory_space<vmem>>, vector<16xi32>,
            %gather3A_216 = tpu.vector_load_idx %arg8[%get3A_215] : memref<100000xf32, #tpu.memory_space<vmem>>[vector<16xi32>], vector<16xf32>,
            %add3A_217 = arith.constant 336 : i32
            %add3A_218 = arith.addi %mul3A_26, %add3A_217 : i32
            %swap3A_219 = arith.index_cast %add3A_218 : i32 to index
            %swap3A_220 = tpu.vector_load %arg10[%swap3A_219] {strides = array<i32>} : memref<8192xf32, #tpu.memory_space<vmem>>, vector<16xf32>,
            tpu.vector_store %arg10[%swap3A_219], %gather3A_216 {strides = array<i32>} : memref<8192xf32, #tpu.memory_space<vmem>>, vector<16xf32>,
            %add3A_221 = arith.constant 352 : i32
            %add3A_222 = arith.addi %mul3A_26, %add3A_221 : i32
            %get3A_223 = arith.index_cast %add3A_222 : i32 to index
            %get3A_224 = tpu.vector_load %arg9[%get3A_223] {strides = array<i32>} : memref<8192xi32, #tpu.memory_space<vmem>>, vector<16xi32>,
            %gather3A_225 = tpu.vector_load_idx %arg8[%get3A_224] : memref<100000xf32, #tpu.memory_space<vmem>>[vector<16xi32>], vector<16xf32>,
            %add3A_226 = arith.constant 352 : i32
            %add3A_227 = arith.addi %mul3A_26, %add3A_226 : i32
            %swap3A_228 = arith.index_cast %add3A_227 : i32 to index
            %swap3A_229 = tpu.vector_load %arg10[%swap3A_228] {strides = array<i32>} : memref<8192xf32, #tpu.memory_space<vmem>>, vector<16xf32>,
            tpu.vector_store %arg10[%swap3A_228], %gather3A_225 {strides = array<i32>} : memref<8192xf32, #tpu.memory_space<vmem>>, vector<16xf32>,
            %add3A_230 = arith.constant 368 : i32
            %add3A_231 = arith.addi %mul3A_26, %add3A_230 : i32
            %get3A_232 = arith.index_cast %add3A_231 : i32 to index
            %get3A_233 = tpu.vector_load %arg9[%get3A_232] {strides = array<i32>} : memref<8192xi32, #tpu.memory_space<vmem>>, vector<16xi32>,
            %gather3A_234 = tpu.vector_load_idx %arg8[%get3A_233] : memref<100000xf32, #tpu.memory_space<vmem>>[vector<16xi32>], vector<16xf32>,
            %add3A_235 = arith.constant 368 : i32
            %add3A_236 = arith.addi %mul3A_26, %add3A_235 : i32
            %swap3A_237 = arith.index_cast %add3A_236 : i32 to index
            %swap3A_238 = tpu.vector_load %arg10[%swap3A_237] {strides = array<i32>} : memref<8192xf32, #tpu.memory_space<vmem>>, vector<16xf32>,
            tpu.vector_store %arg10[%swap3A_237], %gather3A_234 {strides = array<i32>} : memref<8192xf32, #tpu.memory_space<vmem>>, vector<16xf32>,
            %add3A_239 = arith.constant 384 : i32
            %add3A_240 = arith.addi %mul3A_26, %add3A_239 : i32
            %get3A_241 = arith.index_cast %add3A_240 : i32 to index
            %get3A_242 = tpu.vector_load %arg9[%get3A_241] {strides = array<i32>} : memref<8192xi32, #tpu.memory_space<vmem>>, vector<16xi32>,
            %gather3A_243 = tpu.vector_load_idx %arg8[%get3A_242] : memref<100000xf32, #tpu.memory_space<vmem>>[vector<16xi32>], vector<16xf32>,
            %add3A_244 = arith.constant 384 : i32
            %add3A_245 = arith.addi %mul3A_26, %add3A_244 : i32
            %swap3A_246 = arith.index_cast %add3A_245 : i32 to index
            %swap3A_247 = tpu.vector_load %arg10[%swap3A_246] {strides = array<i32>} : memref<8192xf32, #tpu.memory_space<vmem>>, vector<16xf32>,
            tpu.vector_store %arg10[%swap3A_246], %gather3A_243 {strides = array<i32>} : memref<8192xf32, #tpu.memory_space<vmem>>, vector<16xf32>,
            %add3A_248 = arith.constant 400 : i32
            %add3A_249 = arith.addi %mul3A_26, %add3A_248 : i32
            %get3A_250 = arith.index_cast %add3A_249 : i32 to index
            %get3A_251 = tpu.vector_load %arg9[%get3A_250] {strides = array<i32>} : memref<8192xi32, #tpu.memory_space<vmem>>, vector<16xi32>,
            %gather3A_252 = tpu.vector_load_idx %arg8[%get3A_251] : memref<100000xf32, #tpu.memory_space<vmem>>[vector<16xi32>], vector<16xf32>,
            %add3A_253 = arith.constant 400 : i32
            %add3A_254 = arith.addi %mul3A_26, %add3A_253 : i32
            %swap3A_255 = arith.index_cast %add3A_254 : i32 to index
            %swap3A_256 = tpu.vector_load %arg10[%swap3A_255] {strides = array<i32>} : memref<8192xf32, #tpu.memory_space<vmem>>, vector<16xf32>,
            tpu.vector_store %arg10[%swap3A_255], %gather3A_252 {strides = array<i32>} : memref<8192xf32, #tpu.memory_space<vmem>>, vector<16xf32>,
            %add3A_257 = arith.constant 416 : i32
            %add3A_258 = arith.addi %mul3A_26, %add3A_257 : i32
            %get3A_259 = arith.index_cast %add3A_258 : i32 to index
            %get3A_260 = tpu.vector_load %arg9[%get3A_259] {strides = array<i32>} : memref<8192xi32, #tpu.memory_space<vmem>>, vector<16xi32>,
            %gather3A_261 = tpu.vector_load_idx %arg8[%get3A_260] : memref<100000xf32, #tpu.memory_space<vmem>>[vector<16xi32>], vector<16xf32>,
            %add3A_262 = arith.constant 416 : i32
            %add3A_263 = arith.addi %mul3A_26, %add3A_262 : i32
            %swap3A_264 = arith.index_cast %add3A_263 : i32 to index
            %swap3A_265 = tpu.vector_load %arg10[%swap3A_264] {strides = array<i32>} : memref<8192xf32, #tpu.memory_space<vmem>>, vector<16xf32>,
            tpu.vector_store %arg10[%swap3A_264], %gather3A_261 {strides = array<i32>} : memref<8192xf32, #tpu.memory_space<vmem>>, vector<16xf32>,
            %add3A_266 = arith.constant 432 : i32
            %add3A_267 = arith.addi %mul3A_26, %add3A_266 : i32
            %get3A_268 = arith.index_cast %add3A_267 : i32 to index
            %get3A_269 = tpu.vector_load %arg9[%get3A_268] {strides = array<i32>} : memref<8192xi32, #tpu.memory_space<vmem>>, vector<16xi32>,
            %gather3A_270 = tpu.vector_load_idx %arg8[%get3A_269] : memref<100000xf32, #tpu.memory_space<vmem>>[vector<16xi32>], vector<16xf32>,
            %add3A_271 = arith.constant 432 : i32
            %add3A_272 = arith.addi %mul3A_26, %add3A_271 : i32
            %swap3A_273 = arith.index_cast %add3A_272 : i32 to index
            %swap3A_274 = tpu.vector_load %arg10[%swap3A_273] {strides = array<i32>} : memref<8192xf32, #tpu.memory_space<vmem>>, vector<16xf32>,
            tpu.vector_store %arg10[%swap3A_273], %gather3A_270 {strides = array<i32>} : memref<8192xf32, #tpu.memory_space<vmem>>, vector<16xf32>,
            %add3A_275 = arith.constant 448 : i32
            %add3A_276 = arith.addi %mul3A_26, %add3A_275 : i32
            %get3A_277 = arith.index_cast %add3A_276 : i32 to index
            %get3A_278 = tpu.vector_load %arg9[%get3A_277] {strides = array<i32>} : memref<8192xi32, #tpu.memory_space<vmem>>, vector<16xi32>,
            %gather3A_279 = tpu.vector_load_idx %arg8[%get3A_278] : memref<100000xf32, #tpu.memory_space<vmem>>[vector<16xi32>], vector<16xf32>,
            %add3A_280 = arith.constant 448 : i32
            %add3A_281 = arith.addi %mul3A_26, %add3A_280 : i32
            %swap3A_282 = arith.index_cast %add3A_281 : i32 to index
            %swap3A_283 = tpu.vector_load %arg10[%swap3A_282] {strides = array<i32>} : memref<8192xf32, #tpu.memory_space<vmem>>, vector<16xf32>,
            tpu.vector_store %arg10[%swap3A_282], %gather3A_279 {strides = array<i32>} : memref<8192xf32, #tpu.memory_space<vmem>>, vector<16xf32>,
            %add3A_284 = arith.constant 464 : i32
            %add3A_285 = arith.addi %mul3A_26, %add3A_284 : i32
            %get3A_286 = arith.index_cast %add3A_285 : i32 to index
            %get3A_287 = tpu.vector_load %arg9[%get3A_286] {strides = array<i32>} : memref<8192xi32, #tpu.memory_space<vmem>>, vector<16xi32>,
            %gather3A_288 = tpu.vector_load_idx %arg8[%get3A_287] : memref<100000xf32, #tpu.memory_space<vmem>>[vector<16xi32>], vector<16xf32>,
            %add3A_289 = arith.constant 464 : i32
            %add3A_290 = arith.addi %mul3A_26, %add3A_289 : i32
            %swap3A_291 = arith.index_cast %add3A_290 : i32 to index
            %swap3A_292 = tpu.vector_load %arg10[%swap3A_291] {strides = array<i32>} : memref<8192xf32, #tpu.memory_space<vmem>>, vector<16xf32>,
            tpu.vector_store %arg10[%swap3A_291], %gather3A_288 {strides = array<i32>} : memref<8192xf32, #tpu.memory_space<vmem>>, vector<16xf32>,
            %add3A_293 = arith.constant 480 : i32
            %add3A_294 = arith.addi %mul3A_26, %add3A_293 : i32
            %get3A_295 = arith.index_cast %add3A_294 : i32 to index
            %get3A_296 = tpu.vector_load %arg9[%get3A_295] {strides = array<i32>} : memref<8192xi32, #tpu.memory_space<vmem>>, vector<16xi32>,
            %gather3A_297 = tpu.vector_load_idx %arg8[%get3A_296] : memref<100000xf32, #tpu.memory_space<vmem>>[vector<16xi32>], vector<16xf32>,
            %add3A_298 = arith.constant 480 : i32
            %add3A_299 = arith.addi %mul3A_26, %add3A_298 : i32
            %swap3A_300 = arith.index_cast %add3A_299 : i32 to index
            %swap3A_301 = tpu.vector_load %arg10[%swap3A_300] {strides = array<i32>} : memref<8192xf32, #tpu.memory_space<vmem>>, vector<16xf32>,
            tpu.vector_store %arg10[%swap3A_300], %gather3A_297 {strides = array<i32>} : memref<8192xf32, #tpu.memory_space<vmem>>, vector<16xf32>,
            %add3A_302 = arith.constant 496 : i32
            %add3A_303 = arith.addi %mul3A_26, %add3A_302 : i32
            %get3A_304 = arith.index_cast %add3A_303 : i32 to index
            %get3A_305 = tpu.vector_load %arg9[%get3A_304] {strides = array<i32>} : memref<8192xi32, #tpu.memory_space<vmem>>, vector<16xi32>,
            %gather3A_306 = tpu.vector_load_idx %arg8[%get3A_305] : memref<100000xf32, #tpu.memory_space<vmem>>[vector<16xi32>], vector<16xf32>,
            %add3A_307 = arith.constant 496 : i32
            %add3A_308 = arith.addi %mul3A_26, %add3A_307 : i32
            %swap3A_309 = arith.index_cast %add3A_308 : i32 to index
            %swap3A_310 = tpu.vector_load %arg10[%swap3A_309] {strides = array<i32>} : memref<8192xf32, #tpu.memory_space<vmem>>, vector<16xf32>,
            tpu.vector_store %arg10[%swap3A_309], %gather3A_306 {strides = array<i32>} : memref<8192xf32, #tpu.memory_space<vmem>>, vector<16xf32>,
          }
          %scan3A_21 = arith.constant 16 : i32
          %mul3A_22 = arith.constant 8192 : i32
          %mul3A_23 = arith.muli %scan3A_14, %mul3A_22 : i32
          "tpu.region"() ({
            %run_scoped3A = tpu.sem_alloc : memref<!tpu.dma_semaphore, #tpu.memory_space<semaphore_mem>>
            %dma_start3A = tpu.memref_slice %arg6[%scan3A_7, %arg1, %mul3A_23] : memref<13x16x16384xf32, #tpu.memory_space<hbm>> -> memref<1x1x8192xf32, #tpu.memory_space<hbm>>
            %dma_start3A_24 = tpu.memref_squeeze %dma_start3A : memref<1x1x8192xf32, #tpu.memory_space<hbm>> -> memref<8192xf32, #tpu.memory_space<hbm>>
            %dma_start3A_25 = tpu.memref_slice %arg6[%scan3A_7, %arg1, %mul3A_23] : memref<13x16x16384xf32, #tpu.memory_space<hbm>> -> memref<1x1x8192xf32, #tpu.memory_space<hbm>>
            %dma_start3A_26 = tpu.memref_squeeze %dma_start3A_25 : memref<1x1x8192xf32, #tpu.memory_space<hbm>> -> memref<8192xf32, #tpu.memory_space<hbm>>
            tpu.enqueue_dma source(%arg10 : memref<8192xf32, #tpu.memory_space<vmem>>) target(%dma_start3A_26 : memref<8192xf32, #tpu.memory_space<hbm>>) target_semaphore(%run_scoped3A : memref<!tpu.dma_semaphore, #tpu.memory_space<semaphore_mem>>)
            %dma_wait3A = tpu.memref_slice %arg6[%scan3A_7, %arg1, %mul3A_23] : memref<13x16x16384xf32, #tpu.memory_space<hbm>> -> memref<1x1x8192xf32, #tpu.memory_space<hbm>>
            %dma_wait3A_27 = tpu.memref_squeeze %dma_wait3A : memref<1x1x8192xf32, #tpu.memory_space<hbm>> -> memref<8192xf32, #tpu.memory_space<hbm>>
            %dma_wait3A_28 = tpu.memref_slice %arg6[%scan3A_7, %arg1, %mul3A_23] : memref<13x16x16384xf32, #tpu.memory_space<hbm>> -> memref<1x1x8192xf32, #tpu.memory_space<hbm>>
            %dma_wait3A_29 = tpu.memref_squeeze %dma_wait3A_28 : memref<1x1x8192xf32, #tpu.memory_space<hbm>> -> memref<8192xf32, #tpu.memory_space<hbm>>
            tpu.wait_dma2 semaphore(%run_scoped3A : memref<!tpu.dma_semaphore, #tpu.memory_space<semaphore_mem>>) src(%arg10 : memref<8192xf32, #tpu.memory_space<vmem>>) dst(%dma_wait3A_29 : memref<8192xf32, #tpu.memory_space<hbm>>)
            tpu.yield
          }) : () -> ()
        }
        %scan3A_13 = arith.constant 2 : i32
      }
      %scan3A_6 = arith.constant 13 : i32
    } else {
      %scan3A = arith.constant 0 : i32
      %scan3A_2 = arith.constant 0 : i32
      %scan3A_3 = arith.constant 13 : i32
      %scan3A_4 = arith.addi %scan3A_2, %scan3A_3 : i32
      %scan3A_5 = arith.constant 1 : i32
      scf.for %scan3A_7 = %scan3A_2 to %scan3A_4 step %scan3A_5  : i32 {
        "tpu.region"() ({
          %run_scoped3A = tpu.sem_alloc : memref<!tpu.dma_semaphore, #tpu.memory_space<semaphore_mem>>
          %dma_start3A = arith.constant 0 : i32
          %dma_start3A_14 = tpu.memref_slice %arg3[%scan3A_7, %arg1, %dma_start3A] : memref<13x16x100000xf32, #tpu.memory_space<hbm>> -> memref<1x1x100000xf32, #tpu.memory_space<hbm>>
          %dma_start3A_15 = tpu.memref_squeeze %dma_start3A_14 : memref<1x1x100000xf32, #tpu.memory_space<hbm>> -> memref<100000xf32, #tpu.memory_space<hbm>>
          %dma_start3A_16 = arith.constant 0 : i32
          %dma_start3A_17 = tpu.memref_slice %arg3[%scan3A_7, %arg1, %dma_start3A_16] : memref<13x16x100000xf32, #tpu.memory_space<hbm>> -> memref<1x1x100000xf32, #tpu.memory_space<hbm>>
          %dma_start3A_18 = tpu.memref_squeeze %dma_start3A_17 : memref<1x1x100000xf32, #tpu.memory_space<hbm>> -> memref<100000xf32, #tpu.memory_space<hbm>>
          tpu.enqueue_dma source(%dma_start3A_18 : memref<100000xf32, #tpu.memory_space<hbm>>) target(%arg8 : memref<100000xf32, #tpu.memory_space<vmem>>) target_semaphore(%run_scoped3A : memref<!tpu.dma_semaphore, #tpu.memory_space<semaphore_mem>>)
          %dma_wait3A = arith.constant 0 : i32
          %dma_wait3A_19 = tpu.memref_slice %arg3[%scan3A_7, %arg1, %dma_wait3A] : memref<13x16x100000xf32, #tpu.memory_space<hbm>> -> memref<1x1x100000xf32, #tpu.memory_space<hbm>>
          %dma_wait3A_20 = tpu.memref_squeeze %dma_wait3A_19 : memref<1x1x100000xf32, #tpu.memory_space<hbm>> -> memref<100000xf32, #tpu.memory_space<hbm>>
          %dma_wait3A_21 = arith.constant 0 : i32
          %dma_wait3A_22 = tpu.memref_slice %arg3[%scan3A_7, %arg1, %dma_wait3A_21] : memref<13x16x100000xf32, #tpu.memory_space<hbm>> -> memref<1x1x100000xf32, #tpu.memory_space<hbm>>
          %dma_wait3A_23 = tpu.memref_squeeze %dma_wait3A_22 : memref<1x1x100000xf32, #tpu.memory_space<hbm>> -> memref<100000xf32, #tpu.memory_space<hbm>>
          tpu.wait_dma2 semaphore(%run_scoped3A : memref<!tpu.dma_semaphore, #tpu.memory_space<semaphore_mem>>) src(%dma_wait3A_23 : memref<100000xf32, #tpu.memory_space<hbm>>) dst(%arg8 : memref<100000xf32, #tpu.memory_space<vmem>>)
          tpu.yield
        }) : () -> ()
        %scan3A_8 = arith.constant 0 : i32
        %scan3A_9 = arith.constant 0 : i32
        %scan3A_10 = arith.constant 2 : i32
        %scan3A_11 = arith.addi %scan3A_9, %scan3A_10 : i32
        %scan3A_12 = arith.constant 1 : i32
        scf.for %scan3A_14 = %scan3A_9 to %scan3A_11 step %scan3A_12  : i32 {
          %mul3A = arith.constant 8192 : i32
          %mul3A_15 = arith.muli %scan3A_14, %mul3A : i32
          "tpu.region"() ({
            %run_scoped3A = tpu.sem_alloc : memref<!tpu.dma_semaphore, #tpu.memory_space<semaphore_mem>>
            %dma_start3A = tpu.memref_slice %arg5[%scan3A_7, %mul3A_15] : memref<13x16384xi32, #tpu.memory_space<hbm>> -> memref<1x8192xi32, #tpu.memory_space<hbm>>
            %dma_start3A_24 = tpu.memref_squeeze %dma_start3A : memref<1x8192xi32, #tpu.memory_space<hbm>> -> memref<8192xi32, #tpu.memory_space<hbm>>
            %dma_start3A_25 = tpu.memref_slice %arg5[%scan3A_7, %mul3A_15] : memref<13x16384xi32, #tpu.memory_space<hbm>> -> memref<1x8192xi32, #tpu.memory_space<hbm>>
            %dma_start3A_26 = tpu.memref_squeeze %dma_start3A_25 : memref<1x8192xi32, #tpu.memory_space<hbm>> -> memref<8192xi32, #tpu.memory_space<hbm>>
            tpu.enqueue_dma source(%dma_start3A_26 : memref<8192xi32, #tpu.memory_space<hbm>>) target(%arg9 : memref<8192xi32, #tpu.memory_space<vmem>>) target_semaphore(%run_scoped3A : memref<!tpu.dma_semaphore, #tpu.memory_space<semaphore_mem>>)
            %dma_wait3A = tpu.memref_slice %arg5[%scan3A_7, %mul3A_15] : memref<13x16384xi32, #tpu.memory_space<hbm>> -> memref<1x8192xi32, #tpu.memory_space<hbm>>
            %dma_wait3A_27 = tpu.memref_squeeze %dma_wait3A : memref<1x8192xi32, #tpu.memory_space<hbm>> -> memref<8192xi32, #tpu.memory_space<hbm>>
            %dma_wait3A_28 = tpu.memref_slice %arg5[%scan3A_7, %mul3A_15] : memref<13x16384xi32, #tpu.memory_space<hbm>> -> memref<1x8192xi32, #tpu.memory_space<hbm>>
            %dma_wait3A_29 = tpu.memref_squeeze %dma_wait3A_28 : memref<1x8192xi32, #tpu.memory_space<hbm>> -> memref<8192xi32, #tpu.memory_space<hbm>>
            tpu.wait_dma2 semaphore(%run_scoped3A : memref<!tpu.dma_semaphore, #tpu.memory_space<semaphore_mem>>) src(%dma_wait3A_29 : memref<8192xi32, #tpu.memory_space<hbm>>) dst(%arg9 : memref<8192xi32, #tpu.memory_space<vmem>>)
            tpu.yield
          }) : () -> ()
          %scan3A_16 = arith.constant 0 : i32
          %scan3A_17 = arith.constant 0 : i32
          %scan3A_18 = arith.constant 16 : i32
          %scan3A_19 = arith.addi %scan3A_17, %scan3A_18 : i32
          %scan3A_20 = arith.constant 1 : i32
          scf.for %scan3A_24 = %scan3A_17 to %scan3A_19 step %scan3A_20  : i32 {
            %mul3A_25 = arith.constant 512 : i32
            %mul3A_26 = arith.muli %scan3A_24, %mul3A_25 : i32
            %add3A = arith.constant 0 : i32
            %add3A_27 = arith.addi %mul3A_26, %add3A : i32
            %get3A = arith.index_cast %add3A_27 : i32 to index
            %get3A_28 = tpu.vector_load %arg9[%get3A] {strides = array<i32>} : memref<8192xi32, #tpu.memory_space<vmem>>, vector<16xi32>,
            %gather3A = tpu.vector_load_idx %arg8[%get3A_28] : memref<100000xf32, #tpu.memory_space<vmem>>[vector<16xi32>], vector<16xf32>,
            %add3A_29 = arith.constant 0 : i32
            %add3A_30 = arith.addi %mul3A_26, %add3A_29 : i32
            %swap3A = arith.index_cast %add3A_30 : i32 to index
            %swap3A_31 = tpu.vector_load %arg10[%swap3A] {strides = array<i32>} : memref<8192xf32, #tpu.memory_space<vmem>>, vector<16xf32>,
            tpu.vector_store %arg10[%swap3A], %gather3A {strides = array<i32>} : memref<8192xf32, #tpu.memory_space<vmem>>, vector<16xf32>,
            %add3A_32 = arith.constant 16 : i32
            %add3A_33 = arith.addi %mul3A_26, %add3A_32 : i32
            %get3A_34 = arith.index_cast %add3A_33 : i32 to index
            %get3A_35 = tpu.vector_load %arg9[%get3A_34] {strides = array<i32>} : memref<8192xi32, #tpu.memory_space<vmem>>, vector<16xi32>,
            %gather3A_36 = tpu.vector_load_idx %arg8[%get3A_35] : memref<100000xf32, #tpu.memory_space<vmem>>[vector<16xi32>], vector<16xf32>,
            %add3A_37 = arith.constant 16 : i32
            %add3A_38 = arith.addi %mul3A_26, %add3A_37 : i32
            %swap3A_39 = arith.index_cast %add3A_38 : i32 to index
            %swap3A_40 = tpu.vector_load %arg10[%swap3A_39] {strides = array<i32>} : memref<8192xf32, #tpu.memory_space<vmem>>, vector<16xf32>,
            tpu.vector_store %arg10[%swap3A_39], %gather3A_36 {strides = array<i32>} : memref<8192xf32, #tpu.memory_space<vmem>>, vector<16xf32>,
            %add3A_41 = arith.constant 32 : i32
            %add3A_42 = arith.addi %mul3A_26, %add3A_41 : i32
            %get3A_43 = arith.index_cast %add3A_42 : i32 to index
            %get3A_44 = tpu.vector_load %arg9[%get3A_43] {strides = array<i32>} : memref<8192xi32, #tpu.memory_space<vmem>>, vector<16xi32>,
            %gather3A_45 = tpu.vector_load_idx %arg8[%get3A_44] : memref<100000xf32, #tpu.memory_space<vmem>>[vector<16xi32>], vector<16xf32>,
            %add3A_46 = arith.constant 32 : i32
            %add3A_47 = arith.addi %mul3A_26, %add3A_46 : i32
            %swap3A_48 = arith.index_cast %add3A_47 : i32 to index
            %swap3A_49 = tpu.vector_load %arg10[%swap3A_48] {strides = array<i32>} : memref<8192xf32, #tpu.memory_space<vmem>>, vector<16xf32>,
            tpu.vector_store %arg10[%swap3A_48], %gather3A_45 {strides = array<i32>} : memref<8192xf32, #tpu.memory_space<vmem>>, vector<16xf32>,
            %add3A_50 = arith.constant 48 : i32
            %add3A_51 = arith.addi %mul3A_26, %add3A_50 : i32
            %get3A_52 = arith.index_cast %add3A_51 : i32 to index
            %get3A_53 = tpu.vector_load %arg9[%get3A_52] {strides = array<i32>} : memref<8192xi32, #tpu.memory_space<vmem>>, vector<16xi32>,
            %gather3A_54 = tpu.vector_load_idx %arg8[%get3A_53] : memref<100000xf32, #tpu.memory_space<vmem>>[vector<16xi32>], vector<16xf32>,
            %add3A_55 = arith.constant 48 : i32
            %add3A_56 = arith.addi %mul3A_26, %add3A_55 : i32
            %swap3A_57 = arith.index_cast %add3A_56 : i32 to index
            %swap3A_58 = tpu.vector_load %arg10[%swap3A_57] {strides = array<i32>} : memref<8192xf32, #tpu.memory_space<vmem>>, vector<16xf32>,
            tpu.vector_store %arg10[%swap3A_57], %gather3A_54 {strides = array<i32>} : memref<8192xf32, #tpu.memory_space<vmem>>, vector<16xf32>,
            %add3A_59 = arith.constant 64 : i32
            %add3A_60 = arith.addi %mul3A_26, %add3A_59 : i32
            %get3A_61 = arith.index_cast %add3A_60 : i32 to index
            %get3A_62 = tpu.vector_load %arg9[%get3A_61] {strides = array<i32>} : memref<8192xi32, #tpu.memory_space<vmem>>, vector<16xi32>,
            %gather3A_63 = tpu.vector_load_idx %arg8[%get3A_62] : memref<100000xf32, #tpu.memory_space<vmem>>[vector<16xi32>], vector<16xf32>,
            %add3A_64 = arith.constant 64 : i32
            %add3A_65 = arith.addi %mul3A_26, %add3A_64 : i32
            %swap3A_66 = arith.index_cast %add3A_65 : i32 to index
            %swap3A_67 = tpu.vector_load %arg10[%swap3A_66] {strides = array<i32>} : memref<8192xf32, #tpu.memory_space<vmem>>, vector<16xf32>,
            tpu.vector_store %arg10[%swap3A_66], %gather3A_63 {strides = array<i32>} : memref<8192xf32, #tpu.memory_space<vmem>>, vector<16xf32>,
            %add3A_68 = arith.constant 80 : i32
            %add3A_69 = arith.addi %mul3A_26, %add3A_68 : i32
            %get3A_70 = arith.index_cast %add3A_69 : i32 to index
            %get3A_71 = tpu.vector_load %arg9[%get3A_70] {strides = array<i32>} : memref<8192xi32, #tpu.memory_space<vmem>>, vector<16xi32>,
            %gather3A_72 = tpu.vector_load_idx %arg8[%get3A_71] : memref<100000xf32, #tpu.memory_space<vmem>>[vector<16xi32>], vector<16xf32>,
            %add3A_73 = arith.constant 80 : i32
            %add3A_74 = arith.addi %mul3A_26, %add3A_73 : i32
            %swap3A_75 = arith.index_cast %add3A_74 : i32 to index
            %swap3A_76 = tpu.vector_load %arg10[%swap3A_75] {strides = array<i32>} : memref<8192xf32, #tpu.memory_space<vmem>>, vector<16xf32>,
            tpu.vector_store %arg10[%swap3A_75], %gather3A_72 {strides = array<i32>} : memref<8192xf32, #tpu.memory_space<vmem>>, vector<16xf32>,
            %add3A_77 = arith.constant 96 : i32
            %add3A_78 = arith.addi %mul3A_26, %add3A_77 : i32
            %get3A_79 = arith.index_cast %add3A_78 : i32 to index
            %get3A_80 = tpu.vector_load %arg9[%get3A_79] {strides = array<i32>} : memref<8192xi32, #tpu.memory_space<vmem>>, vector<16xi32>,
            %gather3A_81 = tpu.vector_load_idx %arg8[%get3A_80] : memref<100000xf32, #tpu.memory_space<vmem>>[vector<16xi32>], vector<16xf32>,
            %add3A_82 = arith.constant 96 : i32
            %add3A_83 = arith.addi %mul3A_26, %add3A_82 : i32
            %swap3A_84 = arith.index_cast %add3A_83 : i32 to index
            %swap3A_85 = tpu.vector_load %arg10[%swap3A_84] {strides = array<i32>} : memref<8192xf32, #tpu.memory_space<vmem>>, vector<16xf32>,
            tpu.vector_store %arg10[%swap3A_84], %gather3A_81 {strides = array<i32>} : memref<8192xf32, #tpu.memory_space<vmem>>, vector<16xf32>,
            %add3A_86 = arith.constant 112 : i32
            %add3A_87 = arith.addi %mul3A_26, %add3A_86 : i32
            %get3A_88 = arith.index_cast %add3A_87 : i32 to index
            %get3A_89 = tpu.vector_load %arg9[%get3A_88] {strides = array<i32>} : memref<8192xi32, #tpu.memory_space<vmem>>, vector<16xi32>,
            %gather3A_90 = tpu.vector_load_idx %arg8[%get3A_89] : memref<100000xf32, #tpu.memory_space<vmem>>[vector<16xi32>], vector<16xf32>,
            %add3A_91 = arith.constant 112 : i32
            %add3A_92 = arith.addi %mul3A_26, %add3A_91 : i32
            %swap3A_93 = arith.index_cast %add3A_92 : i32 to index
            %swap3A_94 = tpu.vector_load %arg10[%swap3A_93] {strides = array<i32>} : memref<8192xf32, #tpu.memory_space<vmem>>, vector<16xf32>,
            tpu.vector_store %arg10[%swap3A_93], %gather3A_90 {strides = array<i32>} : memref<8192xf32, #tpu.memory_space<vmem>>, vector<16xf32>,
            %add3A_95 = arith.constant 128 : i32
            %add3A_96 = arith.addi %mul3A_26, %add3A_95 : i32
            %get3A_97 = arith.index_cast %add3A_96 : i32 to index
            %get3A_98 = tpu.vector_load %arg9[%get3A_97] {strides = array<i32>} : memref<8192xi32, #tpu.memory_space<vmem>>, vector<16xi32>,
            %gather3A_99 = tpu.vector_load_idx %arg8[%get3A_98] : memref<100000xf32, #tpu.memory_space<vmem>>[vector<16xi32>], vector<16xf32>,
            %add3A_100 = arith.constant 128 : i32
            %add3A_101 = arith.addi %mul3A_26, %add3A_100 : i32
            %swap3A_102 = arith.index_cast %add3A_101 : i32 to index
            %swap3A_103 = tpu.vector_load %arg10[%swap3A_102] {strides = array<i32>} : memref<8192xf32, #tpu.memory_space<vmem>>, vector<16xf32>,
            tpu.vector_store %arg10[%swap3A_102], %gather3A_99 {strides = array<i32>} : memref<8192xf32, #tpu.memory_space<vmem>>, vector<16xf32>,
            %add3A_104 = arith.constant 144 : i32
            %add3A_105 = arith.addi %mul3A_26, %add3A_104 : i32
            %get3A_106 = arith.index_cast %add3A_105 : i32 to index
            %get3A_107 = tpu.vector_load %arg9[%get3A_106] {strides = array<i32>} : memref<8192xi32, #tpu.memory_space<vmem>>, vector<16xi32>,
            %gather3A_108 = tpu.vector_load_idx %arg8[%get3A_107] : memref<100000xf32, #tpu.memory_space<vmem>>[vector<16xi32>], vector<16xf32>,
            %add3A_109 = arith.constant 144 : i32
            %add3A_110 = arith.addi %mul3A_26, %add3A_109 : i32
            %swap3A_111 = arith.index_cast %add3A_110 : i32 to index
            %swap3A_112 = tpu.vector_load %arg10[%swap3A_111] {strides = array<i32>} : memref<8192xf32, #tpu.memory_space<vmem>>, vector<16xf32>,
            tpu.vector_store %arg10[%swap3A_111], %gather3A_108 {strides = array<i32>} : memref<8192xf32, #tpu.memory_space<vmem>>, vector<16xf32>,
            %add3A_113 = arith.constant 160 : i32
            %add3A_114 = arith.addi %mul3A_26, %add3A_113 : i32
            %get3A_115 = arith.index_cast %add3A_114 : i32 to index
            %get3A_116 = tpu.vector_load %arg9[%get3A_115] {strides = array<i32>} : memref<8192xi32, #tpu.memory_space<vmem>>, vector<16xi32>,
            %gather3A_117 = tpu.vector_load_idx %arg8[%get3A_116] : memref<100000xf32, #tpu.memory_space<vmem>>[vector<16xi32>], vector<16xf32>,
            %add3A_118 = arith.constant 160 : i32
            %add3A_119 = arith.addi %mul3A_26, %add3A_118 : i32
            %swap3A_120 = arith.index_cast %add3A_119 : i32 to index
            %swap3A_121 = tpu.vector_load %arg10[%swap3A_120] {strides = array<i32>} : memref<8192xf32, #tpu.memory_space<vmem>>, vector<16xf32>,
            tpu.vector_store %arg10[%swap3A_120], %gather3A_117 {strides = array<i32>} : memref<8192xf32, #tpu.memory_space<vmem>>, vector<16xf32>,
            %add3A_122 = arith.constant 176 : i32
            %add3A_123 = arith.addi %mul3A_26, %add3A_122 : i32
            %get3A_124 = arith.index_cast %add3A_123 : i32 to index
            %get3A_125 = tpu.vector_load %arg9[%get3A_124] {strides = array<i32>} : memref<8192xi32, #tpu.memory_space<vmem>>, vector<16xi32>,
            %gather3A_126 = tpu.vector_load_idx %arg8[%get3A_125] : memref<100000xf32, #tpu.memory_space<vmem>>[vector<16xi32>], vector<16xf32>,
            %add3A_127 = arith.constant 176 : i32
            %add3A_128 = arith.addi %mul3A_26, %add3A_127 : i32
            %swap3A_129 = arith.index_cast %add3A_128 : i32 to index
            %swap3A_130 = tpu.vector_load %arg10[%swap3A_129] {strides = array<i32>} : memref<8192xf32, #tpu.memory_space<vmem>>, vector<16xf32>,
            tpu.vector_store %arg10[%swap3A_129], %gather3A_126 {strides = array<i32>} : memref<8192xf32, #tpu.memory_space<vmem>>, vector<16xf32>,
            %add3A_131 = arith.constant 192 : i32
            %add3A_132 = arith.addi %mul3A_26, %add3A_131 : i32
            %get3A_133 = arith.index_cast %add3A_132 : i32 to index
            %get3A_134 = tpu.vector_load %arg9[%get3A_133] {strides = array<i32>} : memref<8192xi32, #tpu.memory_space<vmem>>, vector<16xi32>,
            %gather3A_135 = tpu.vector_load_idx %arg8[%get3A_134] : memref<100000xf32, #tpu.memory_space<vmem>>[vector<16xi32>], vector<16xf32>,
            %add3A_136 = arith.constant 192 : i32
            %add3A_137 = arith.addi %mul3A_26, %add3A_136 : i32
            %swap3A_138 = arith.index_cast %add3A_137 : i32 to index
            %swap3A_139 = tpu.vector_load %arg10[%swap3A_138] {strides = array<i32>} : memref<8192xf32, #tpu.memory_space<vmem>>, vector<16xf32>,
            tpu.vector_store %arg10[%swap3A_138], %gather3A_135 {strides = array<i32>} : memref<8192xf32, #tpu.memory_space<vmem>>, vector<16xf32>,
            %add3A_140 = arith.constant 208 : i32
            %add3A_141 = arith.addi %mul3A_26, %add3A_140 : i32
            %get3A_142 = arith.index_cast %add3A_141 : i32 to index
            %get3A_143 = tpu.vector_load %arg9[%get3A_142] {strides = array<i32>} : memref<8192xi32, #tpu.memory_space<vmem>>, vector<16xi32>,
            %gather3A_144 = tpu.vector_load_idx %arg8[%get3A_143] : memref<100000xf32, #tpu.memory_space<vmem>>[vector<16xi32>], vector<16xf32>,
            %add3A_145 = arith.constant 208 : i32
            %add3A_146 = arith.addi %mul3A_26, %add3A_145 : i32
            %swap3A_147 = arith.index_cast %add3A_146 : i32 to index
            %swap3A_148 = tpu.vector_load %arg10[%swap3A_147] {strides = array<i32>} : memref<8192xf32, #tpu.memory_space<vmem>>, vector<16xf32>,
            tpu.vector_store %arg10[%swap3A_147], %gather3A_144 {strides = array<i32>} : memref<8192xf32, #tpu.memory_space<vmem>>, vector<16xf32>,
            %add3A_149 = arith.constant 224 : i32
            %add3A_150 = arith.addi %mul3A_26, %add3A_149 : i32
            %get3A_151 = arith.index_cast %add3A_150 : i32 to index
            %get3A_152 = tpu.vector_load %arg9[%get3A_151] {strides = array<i32>} : memref<8192xi32, #tpu.memory_space<vmem>>, vector<16xi32>,
            %gather3A_153 = tpu.vector_load_idx %arg8[%get3A_152] : memref<100000xf32, #tpu.memory_space<vmem>>[vector<16xi32>], vector<16xf32>,
            %add3A_154 = arith.constant 224 : i32
            %add3A_155 = arith.addi %mul3A_26, %add3A_154 : i32
            %swap3A_156 = arith.index_cast %add3A_155 : i32 to index
            %swap3A_157 = tpu.vector_load %arg10[%swap3A_156] {strides = array<i32>} : memref<8192xf32, #tpu.memory_space<vmem>>, vector<16xf32>,
            tpu.vector_store %arg10[%swap3A_156], %gather3A_153 {strides = array<i32>} : memref<8192xf32, #tpu.memory_space<vmem>>, vector<16xf32>,
            %add3A_158 = arith.constant 240 : i32
            %add3A_159 = arith.addi %mul3A_26, %add3A_158 : i32
            %get3A_160 = arith.index_cast %add3A_159 : i32 to index
            %get3A_161 = tpu.vector_load %arg9[%get3A_160] {strides = array<i32>} : memref<8192xi32, #tpu.memory_space<vmem>>, vector<16xi32>,
            %gather3A_162 = tpu.vector_load_idx %arg8[%get3A_161] : memref<100000xf32, #tpu.memory_space<vmem>>[vector<16xi32>], vector<16xf32>,
            %add3A_163 = arith.constant 240 : i32
            %add3A_164 = arith.addi %mul3A_26, %add3A_163 : i32
            %swap3A_165 = arith.index_cast %add3A_164 : i32 to index
            %swap3A_166 = tpu.vector_load %arg10[%swap3A_165] {strides = array<i32>} : memref<8192xf32, #tpu.memory_space<vmem>>, vector<16xf32>,
            tpu.vector_store %arg10[%swap3A_165], %gather3A_162 {strides = array<i32>} : memref<8192xf32, #tpu.memory_space<vmem>>, vector<16xf32>,
            %add3A_167 = arith.constant 256 : i32
            %add3A_168 = arith.addi %mul3A_26, %add3A_167 : i32
            %get3A_169 = arith.index_cast %add3A_168 : i32 to index
            %get3A_170 = tpu.vector_load %arg9[%get3A_169] {strides = array<i32>} : memref<8192xi32, #tpu.memory_space<vmem>>, vector<16xi32>,
            %gather3A_171 = tpu.vector_load_idx %arg8[%get3A_170] : memref<100000xf32, #tpu.memory_space<vmem>>[vector<16xi32>], vector<16xf32>,
            %add3A_172 = arith.constant 256 : i32
            %add3A_173 = arith.addi %mul3A_26, %add3A_172 : i32
            %swap3A_174 = arith.index_cast %add3A_173 : i32 to index
            %swap3A_175 = tpu.vector_load %arg10[%swap3A_174] {strides = array<i32>} : memref<8192xf32, #tpu.memory_space<vmem>>, vector<16xf32>,
            tpu.vector_store %arg10[%swap3A_174], %gather3A_171 {strides = array<i32>} : memref<8192xf32, #tpu.memory_space<vmem>>, vector<16xf32>,
            %add3A_176 = arith.constant 272 : i32
            %add3A_177 = arith.addi %mul3A_26, %add3A_176 : i32
            %get3A_178 = arith.index_cast %add3A_177 : i32 to index
            %get3A_179 = tpu.vector_load %arg9[%get3A_178] {strides = array<i32>} : memref<8192xi32, #tpu.memory_space<vmem>>, vector<16xi32>,
            %gather3A_180 = tpu.vector_load_idx %arg8[%get3A_179] : memref<100000xf32, #tpu.memory_space<vmem>>[vector<16xi32>], vector<16xf32>,
            %add3A_181 = arith.constant 272 : i32
            %add3A_182 = arith.addi %mul3A_26, %add3A_181 : i32
            %swap3A_183 = arith.index_cast %add3A_182 : i32 to index
            %swap3A_184 = tpu.vector_load %arg10[%swap3A_183] {strides = array<i32>} : memref<8192xf32, #tpu.memory_space<vmem>>, vector<16xf32>,
            tpu.vector_store %arg10[%swap3A_183], %gather3A_180 {strides = array<i32>} : memref<8192xf32, #tpu.memory_space<vmem>>, vector<16xf32>,
            %add3A_185 = arith.constant 288 : i32
            %add3A_186 = arith.addi %mul3A_26, %add3A_185 : i32
            %get3A_187 = arith.index_cast %add3A_186 : i32 to index
            %get3A_188 = tpu.vector_load %arg9[%get3A_187] {strides = array<i32>} : memref<8192xi32, #tpu.memory_space<vmem>>, vector<16xi32>,
            %gather3A_189 = tpu.vector_load_idx %arg8[%get3A_188] : memref<100000xf32, #tpu.memory_space<vmem>>[vector<16xi32>], vector<16xf32>,
            %add3A_190 = arith.constant 288 : i32
            %add3A_191 = arith.addi %mul3A_26, %add3A_190 : i32
            %swap3A_192 = arith.index_cast %add3A_191 : i32 to index
            %swap3A_193 = tpu.vector_load %arg10[%swap3A_192] {strides = array<i32>} : memref<8192xf32, #tpu.memory_space<vmem>>, vector<16xf32>,
            tpu.vector_store %arg10[%swap3A_192], %gather3A_189 {strides = array<i32>} : memref<8192xf32, #tpu.memory_space<vmem>>, vector<16xf32>,
            %add3A_194 = arith.constant 304 : i32
            %add3A_195 = arith.addi %mul3A_26, %add3A_194 : i32
            %get3A_196 = arith.index_cast %add3A_195 : i32 to index
            %get3A_197 = tpu.vector_load %arg9[%get3A_196] {strides = array<i32>} : memref<8192xi32, #tpu.memory_space<vmem>>, vector<16xi32>,
            %gather3A_198 = tpu.vector_load_idx %arg8[%get3A_197] : memref<100000xf32, #tpu.memory_space<vmem>>[vector<16xi32>], vector<16xf32>,
            %add3A_199 = arith.constant 304 : i32
            %add3A_200 = arith.addi %mul3A_26, %add3A_199 : i32
            %swap3A_201 = arith.index_cast %add3A_200 : i32 to index
            %swap3A_202 = tpu.vector_load %arg10[%swap3A_201] {strides = array<i32>} : memref<8192xf32, #tpu.memory_space<vmem>>, vector<16xf32>,
            tpu.vector_store %arg10[%swap3A_201], %gather3A_198 {strides = array<i32>} : memref<8192xf32, #tpu.memory_space<vmem>>, vector<16xf32>,
            %add3A_203 = arith.constant 320 : i32
            %add3A_204 = arith.addi %mul3A_26, %add3A_203 : i32
            %get3A_205 = arith.index_cast %add3A_204 : i32 to index
            %get3A_206 = tpu.vector_load %arg9[%get3A_205] {strides = array<i32>} : memref<8192xi32, #tpu.memory_space<vmem>>, vector<16xi32>,
            %gather3A_207 = tpu.vector_load_idx %arg8[%get3A_206] : memref<100000xf32, #tpu.memory_space<vmem>>[vector<16xi32>], vector<16xf32>,
            %add3A_208 = arith.constant 320 : i32
            %add3A_209 = arith.addi %mul3A_26, %add3A_208 : i32
            %swap3A_210 = arith.index_cast %add3A_209 : i32 to index
            %swap3A_211 = tpu.vector_load %arg10[%swap3A_210] {strides = array<i32>} : memref<8192xf32, #tpu.memory_space<vmem>>, vector<16xf32>,
            tpu.vector_store %arg10[%swap3A_210], %gather3A_207 {strides = array<i32>} : memref<8192xf32, #tpu.memory_space<vmem>>, vector<16xf32>,
            %add3A_212 = arith.constant 336 : i32
            %add3A_213 = arith.addi %mul3A_26, %add3A_212 : i32
            %get3A_214 = arith.index_cast %add3A_213 : i32 to index
            %get3A_215 = tpu.vector_load %arg9[%get3A_214] {strides = array<i32>} : memref<8192xi32, #tpu.memory_space<vmem>>, vector<16xi32>,
            %gather3A_216 = tpu.vector_load_idx %arg8[%get3A_215] : memref<100000xf32, #tpu.memory_space<vmem>>[vector<16xi32>], vector<16xf32>,
            %add3A_217 = arith.constant 336 : i32
            %add3A_218 = arith.addi %mul3A_26, %add3A_217 : i32
            %swap3A_219 = arith.index_cast %add3A_218 : i32 to index
            %swap3A_220 = tpu.vector_load %arg10[%swap3A_219] {strides = array<i32>} : memref<8192xf32, #tpu.memory_space<vmem>>, vector<16xf32>,
            tpu.vector_store %arg10[%swap3A_219], %gather3A_216 {strides = array<i32>} : memref<8192xf32, #tpu.memory_space<vmem>>, vector<16xf32>,
            %add3A_221 = arith.constant 352 : i32
            %add3A_222 = arith.addi %mul3A_26, %add3A_221 : i32
            %get3A_223 = arith.index_cast %add3A_222 : i32 to index
            %get3A_224 = tpu.vector_load %arg9[%get3A_223] {strides = array<i32>} : memref<8192xi32, #tpu.memory_space<vmem>>, vector<16xi32>,
            %gather3A_225 = tpu.vector_load_idx %arg8[%get3A_224] : memref<100000xf32, #tpu.memory_space<vmem>>[vector<16xi32>], vector<16xf32>,
            %add3A_226 = arith.constant 352 : i32
            %add3A_227 = arith.addi %mul3A_26, %add3A_226 : i32
            %swap3A_228 = arith.index_cast %add3A_227 : i32 to index
            %swap3A_229 = tpu.vector_load %arg10[%swap3A_228] {strides = array<i32>} : memref<8192xf32, #tpu.memory_space<vmem>>, vector<16xf32>,
            tpu.vector_store %arg10[%swap3A_228], %gather3A_225 {strides = array<i32>} : memref<8192xf32, #tpu.memory_space<vmem>>, vector<16xf32>,
            %add3A_230 = arith.constant 368 : i32
            %add3A_231 = arith.addi %mul3A_26, %add3A_230 : i32
            %get3A_232 = arith.index_cast %add3A_231 : i32 to index
            %get3A_233 = tpu.vector_load %arg9[%get3A_232] {strides = array<i32>} : memref<8192xi32, #tpu.memory_space<vmem>>, vector<16xi32>,
            %gather3A_234 = tpu.vector_load_idx %arg8[%get3A_233] : memref<100000xf32, #tpu.memory_space<vmem>>[vector<16xi32>], vector<16xf32>,
            %add3A_235 = arith.constant 368 : i32
            %add3A_236 = arith.addi %mul3A_26, %add3A_235 : i32
            %swap3A_237 = arith.index_cast %add3A_236 : i32 to index
            %swap3A_238 = tpu.vector_load %arg10[%swap3A_237] {strides = array<i32>} : memref<8192xf32, #tpu.memory_space<vmem>>, vector<16xf32>,
            tpu.vector_store %arg10[%swap3A_237], %gather3A_234 {strides = array<i32>} : memref<8192xf32, #tpu.memory_space<vmem>>, vector<16xf32>,
            %add3A_239 = arith.constant 384 : i32
            %add3A_240 = arith.addi %mul3A_26, %add3A_239 : i32
            %get3A_241 = arith.index_cast %add3A_240 : i32 to index
            %get3A_242 = tpu.vector_load %arg9[%get3A_241] {strides = array<i32>} : memref<8192xi32, #tpu.memory_space<vmem>>, vector<16xi32>,
            %gather3A_243 = tpu.vector_load_idx %arg8[%get3A_242] : memref<100000xf32, #tpu.memory_space<vmem>>[vector<16xi32>], vector<16xf32>,
            %add3A_244 = arith.constant 384 : i32
            %add3A_245 = arith.addi %mul3A_26, %add3A_244 : i32
            %swap3A_246 = arith.index_cast %add3A_245 : i32 to index
            %swap3A_247 = tpu.vector_load %arg10[%swap3A_246] {strides = array<i32>} : memref<8192xf32, #tpu.memory_space<vmem>>, vector<16xf32>,
            tpu.vector_store %arg10[%swap3A_246], %gather3A_243 {strides = array<i32>} : memref<8192xf32, #tpu.memory_space<vmem>>, vector<16xf32>,
            %add3A_248 = arith.constant 400 : i32
            %add3A_249 = arith.addi %mul3A_26, %add3A_248 : i32
            %get3A_250 = arith.index_cast %add3A_249 : i32 to index
            %get3A_251 = tpu.vector_load %arg9[%get3A_250] {strides = array<i32>} : memref<8192xi32, #tpu.memory_space<vmem>>, vector<16xi32>,
            %gather3A_252 = tpu.vector_load_idx %arg8[%get3A_251] : memref<100000xf32, #tpu.memory_space<vmem>>[vector<16xi32>], vector<16xf32>,
            %add3A_253 = arith.constant 400 : i32
            %add3A_254 = arith.addi %mul3A_26, %add3A_253 : i32
            %swap3A_255 = arith.index_cast %add3A_254 : i32 to index
            %swap3A_256 = tpu.vector_load %arg10[%swap3A_255] {strides = array<i32>} : memref<8192xf32, #tpu.memory_space<vmem>>, vector<16xf32>,
            tpu.vector_store %arg10[%swap3A_255], %gather3A_252 {strides = array<i32>} : memref<8192xf32, #tpu.memory_space<vmem>>, vector<16xf32>,
            %add3A_257 = arith.constant 416 : i32
            %add3A_258 = arith.addi %mul3A_26, %add3A_257 : i32
            %get3A_259 = arith.index_cast %add3A_258 : i32 to index
            %get3A_260 = tpu.vector_load %arg9[%get3A_259] {strides = array<i32>} : memref<8192xi32, #tpu.memory_space<vmem>>, vector<16xi32>,
            %gather3A_261 = tpu.vector_load_idx %arg8[%get3A_260] : memref<100000xf32, #tpu.memory_space<vmem>>[vector<16xi32>], vector<16xf32>,
            %add3A_262 = arith.constant 416 : i32
            %add3A_263 = arith.addi %mul3A_26, %add3A_262 : i32
            %swap3A_264 = arith.index_cast %add3A_263 : i32 to index
            %swap3A_265 = tpu.vector_load %arg10[%swap3A_264] {strides = array<i32>} : memref<8192xf32, #tpu.memory_space<vmem>>, vector<16xf32>,
            tpu.vector_store %arg10[%swap3A_264], %gather3A_261 {strides = array<i32>} : memref<8192xf32, #tpu.memory_space<vmem>>, vector<16xf32>,
            %add3A_266 = arith.constant 432 : i32
            %add3A_267 = arith.addi %mul3A_26, %add3A_266 : i32
            %get3A_268 = arith.index_cast %add3A_267 : i32 to index
            %get3A_269 = tpu.vector_load %arg9[%get3A_268] {strides = array<i32>} : memref<8192xi32, #tpu.memory_space<vmem>>, vector<16xi32>,
            %gather3A_270 = tpu.vector_load_idx %arg8[%get3A_269] : memref<100000xf32, #tpu.memory_space<vmem>>[vector<16xi32>], vector<16xf32>,
            %add3A_271 = arith.constant 432 : i32
            %add3A_272 = arith.addi %mul3A_26, %add3A_271 : i32
            %swap3A_273 = arith.index_cast %add3A_272 : i32 to index
            %swap3A_274 = tpu.vector_load %arg10[%swap3A_273] {strides = array<i32>} : memref<8192xf32, #tpu.memory_space<vmem>>, vector<16xf32>,
            tpu.vector_store %arg10[%swap3A_273], %gather3A_270 {strides = array<i32>} : memref<8192xf32, #tpu.memory_space<vmem>>, vector<16xf32>,
            %add3A_275 = arith.constant 448 : i32
            %add3A_276 = arith.addi %mul3A_26, %add3A_275 : i32
            %get3A_277 = arith.index_cast %add3A_276 : i32 to index
            %get3A_278 = tpu.vector_load %arg9[%get3A_277] {strides = array<i32>} : memref<8192xi32, #tpu.memory_space<vmem>>, vector<16xi32>,
            %gather3A_279 = tpu.vector_load_idx %arg8[%get3A_278] : memref<100000xf32, #tpu.memory_space<vmem>>[vector<16xi32>], vector<16xf32>,
            %add3A_280 = arith.constant 448 : i32
            %add3A_281 = arith.addi %mul3A_26, %add3A_280 : i32
            %swap3A_282 = arith.index_cast %add3A_281 : i32 to index
            %swap3A_283 = tpu.vector_load %arg10[%swap3A_282] {strides = array<i32>} : memref<8192xf32, #tpu.memory_space<vmem>>, vector<16xf32>,
            tpu.vector_store %arg10[%swap3A_282], %gather3A_279 {strides = array<i32>} : memref<8192xf32, #tpu.memory_space<vmem>>, vector<16xf32>,
            %add3A_284 = arith.constant 464 : i32
            %add3A_285 = arith.addi %mul3A_26, %add3A_284 : i32
            %get3A_286 = arith.index_cast %add3A_285 : i32 to index
            %get3A_287 = tpu.vector_load %arg9[%get3A_286] {strides = array<i32>} : memref<8192xi32, #tpu.memory_space<vmem>>, vector<16xi32>,
            %gather3A_288 = tpu.vector_load_idx %arg8[%get3A_287] : memref<100000xf32, #tpu.memory_space<vmem>>[vector<16xi32>], vector<16xf32>,
            %add3A_289 = arith.constant 464 : i32
            %add3A_290 = arith.addi %mul3A_26, %add3A_289 : i32
            %swap3A_291 = arith.index_cast %add3A_290 : i32 to index
            %swap3A_292 = tpu.vector_load %arg10[%swap3A_291] {strides = array<i32>} : memref<8192xf32, #tpu.memory_space<vmem>>, vector<16xf32>,
            tpu.vector_store %arg10[%swap3A_291], %gather3A_288 {strides = array<i32>} : memref<8192xf32, #tpu.memory_space<vmem>>, vector<16xf32>,
            %add3A_293 = arith.constant 480 : i32
            %add3A_294 = arith.addi %mul3A_26, %add3A_293 : i32
            %get3A_295 = arith.index_cast %add3A_294 : i32 to index
            %get3A_296 = tpu.vector_load %arg9[%get3A_295] {strides = array<i32>} : memref<8192xi32, #tpu.memory_space<vmem>>, vector<16xi32>,
            %gather3A_297 = tpu.vector_load_idx %arg8[%get3A_296] : memref<100000xf32, #tpu.memory_space<vmem>>[vector<16xi32>], vector<16xf32>,
            %add3A_298 = arith.constant 480 : i32
            %add3A_299 = arith.addi %mul3A_26, %add3A_298 : i32
            %swap3A_300 = arith.index_cast %add3A_299 : i32 to index
            %swap3A_301 = tpu.vector_load %arg10[%swap3A_300] {strides = array<i32>} : memref<8192xf32, #tpu.memory_space<vmem>>, vector<16xf32>,
            tpu.vector_store %arg10[%swap3A_300], %gather3A_297 {strides = array<i32>} : memref<8192xf32, #tpu.memory_space<vmem>>, vector<16xf32>,
            %add3A_302 = arith.constant 496 : i32
            %add3A_303 = arith.addi %mul3A_26, %add3A_302 : i32
            %get3A_304 = arith.index_cast %add3A_303 : i32 to index
            %get3A_305 = tpu.vector_load %arg9[%get3A_304] {strides = array<i32>} : memref<8192xi32, #tpu.memory_space<vmem>>, vector<16xi32>,
            %gather3A_306 = tpu.vector_load_idx %arg8[%get3A_305] : memref<100000xf32, #tpu.memory_space<vmem>>[vector<16xi32>], vector<16xf32>,
            %add3A_307 = arith.constant 496 : i32
            %add3A_308 = arith.addi %mul3A_26, %add3A_307 : i32
            %swap3A_309 = arith.index_cast %add3A_308 : i32 to index
            %swap3A_310 = tpu.vector_load %arg10[%swap3A_309] {strides = array<i32>} : memref<8192xf32, #tpu.memory_space<vmem>>, vector<16xf32>,
            tpu.vector_store %arg10[%swap3A_309], %gather3A_306 {strides = array<i32>} : memref<8192xf32, #tpu.memory_space<vmem>>, vector<16xf32>,
          }
          %scan3A_21 = arith.constant 16 : i32
          %mul3A_22 = arith.constant 8192 : i32
          %mul3A_23 = arith.muli %scan3A_14, %mul3A_22 : i32
          "tpu.region"() ({
            %run_scoped3A = tpu.sem_alloc : memref<!tpu.dma_semaphore, #tpu.memory_space<semaphore_mem>>
            %dma_start3A = tpu.memref_slice %arg7[%scan3A_7, %arg1, %mul3A_23] : memref<13x16x16384xf32, #tpu.memory_space<hbm>> -> memref<1x1x8192xf32, #tpu.memory_space<hbm>>
            %dma_start3A_24 = tpu.memref_squeeze %dma_start3A : memref<1x1x8192xf32, #tpu.memory_space<hbm>> -> memref<8192xf32, #tpu.memory_space<hbm>>
            %dma_start3A_25 = tpu.memref_slice %arg7[%scan3A_7, %arg1, %mul3A_23] : memref<13x16x16384xf32, #tpu.memory_space<hbm>> -> memref<1x1x8192xf32, #tpu.memory_space<hbm>>
            %dma_start3A_26 = tpu.memref_squeeze %dma_start3A_25 : memref<1x1x8192xf32, #tpu.memory_space<hbm>> -> memref<8192xf32, #tpu.memory_space<hbm>>
            tpu.enqueue_dma source(%arg10 : memref<8192xf32, #tpu.memory_space<vmem>>) target(%dma_start3A_26 : memref<8192xf32, #tpu.memory_space<hbm>>) target_semaphore(%run_scoped3A : memref<!tpu.dma_semaphore, #tpu.memory_space<semaphore_mem>>)
            %dma_wait3A = tpu.memref_slice %arg7[%scan3A_7, %arg1, %mul3A_23] : memref<13x16x16384xf32, #tpu.memory_space<hbm>> -> memref<1x1x8192xf32, #tpu.memory_space<hbm>>
            %dma_wait3A_27 = tpu.memref_squeeze %dma_wait3A : memref<1x1x8192xf32, #tpu.memory_space<hbm>> -> memref<8192xf32, #tpu.memory_space<hbm>>
            %dma_wait3A_28 = tpu.memref_slice %arg7[%scan3A_7, %arg1, %mul3A_23] : memref<13x16x16384xf32, #tpu.memory_space<hbm>> -> memref<1x1x8192xf32, #tpu.memory_space<hbm>>
            %dma_wait3A_29 = tpu.memref_squeeze %dma_wait3A_28 : memref<1x1x8192xf32, #tpu.memory_space<hbm>> -> memref<8192xf32, #tpu.memory_space<hbm>>
            tpu.wait_dma2 semaphore(%run_scoped3A : memref<!tpu.dma_semaphore, #tpu.memory_space<semaphore_mem>>) src(%arg10 : memref<8192xf32, #tpu.memory_space<vmem>>) dst(%dma_wait3A_29 : memref<8192xf32, #tpu.memory_space<hbm>>)
            tpu.yield
          }) : () -> ()
        }
        %scan3A_13 = arith.constant 2 : i32
      }
      %scan3A_6 = arith.constant 13 : i32
    }
    return
  }
}

module attributes {stable_mosaic.version = 14 : i64} {
  func.func @_tc_dnn_body(%arg0: i32, %arg1: memref<13x16x1024xf32, #tpu.memory_space<vmem>>, %arg2: memref<13x16x1024xf32, #tpu.memory_space<vmem>>, %arg3: memref<64x208xf32, #tpu.memory_space<vmem>>, %arg4: memref<64x1xf32, #tpu.memory_space<vmem>>, %arg5: memref<32x64xf32, #tpu.memory_space<vmem>>, %arg6: memref<32x1xf32, #tpu.memory_space<vmem>>, %arg7: memref<64x208xf32, #tpu.memory_space<vmem>>, %arg8: memref<64x1xf32, #tpu.memory_space<vmem>>, %arg9: memref<32x64xf32, #tpu.memory_space<vmem>>, %arg10: memref<32x1xf32, #tpu.memory_space<vmem>>, %arg11: memref<1x1xf32, #tpu.memory_space<smem>>, %arg12: memref<3xf32, #tpu.memory_space<smem>>) attributes {dimension_semantics = [#tpu.dimension_semantics<arbitrary>], iteration_bounds = array<i64: 16>, scalar_prefetch = 0 : i64, scratch_operands = 1 : i64, tpu.core_type = #tpu.core_type<tc>, window_params = [{transform_indices = @transform_0, window_bounds = array<i64: 13, 16, 1024>}, {transform_indices = @transform_1, window_bounds = array<i64: 13, 16, 1024>}, {pipeline_mode = #tpu.pipeline_mode<synchronous>, transform_indices = @transform_2, window_bounds = array<i64: 64, 208>}, {pipeline_mode = #tpu.pipeline_mode<synchronous>, transform_indices = @transform_3, window_bounds = array<i64: 64, 1>}, {pipeline_mode = #tpu.pipeline_mode<synchronous>, transform_indices = @transform_4, window_bounds = array<i64: 32, 64>}, {pipeline_mode = #tpu.pipeline_mode<synchronous>, transform_indices = @transform_5, window_bounds = array<i64: 32, 1>}, {pipeline_mode = #tpu.pipeline_mode<synchronous>, transform_indices = @transform_6, window_bounds = array<i64: 64, 208>}, {pipeline_mode = #tpu.pipeline_mode<synchronous>, transform_indices = @transform_7, window_bounds = array<i64: 64, 1>}, {pipeline_mode = #tpu.pipeline_mode<synchronous>, transform_indices = @transform_8, window_bounds = array<i64: 32, 64>}, {pipeline_mode = #tpu.pipeline_mode<synchronous>, transform_indices = @transform_9, window_bounds = array<i64: 32, 1>}, {transform_indices = @transform_10, window_bounds = array<i64: 1, 1>}]} {
    %eq3A = arith.constant 0 : i32
    %eq3A_0 = arith.cmpi eq, %arg0, %eq3A : i32
    %convert_element_type3A = arith.extui %eq3A_0 : i1 to i32
    %cond3A = arith.constant 0 : i32
    %cond3A_1 = arith.cmpi ne, %convert_element_type3A, %cond3A : i32
    scf.if %cond3A_1 {
      %swap3A_94 = arith.constant 0.000000e+00 : f32
      %swap3A_95 = arith.constant 0 : index
      %swap3A_96 = memref.load %arg12[%swap3A_95] : memref<3xf32, #tpu.memory_space<smem>>
      memref.store %swap3A_94, %arg12[%swap3A_95] : memref<3xf32, #tpu.memory_space<smem>>
      %swap3A_97 = arith.constant 0.000000e+00 : f32
      %swap3A_98 = arith.constant 1 : index
      %swap3A_99 = memref.load %arg12[%swap3A_98] : memref<3xf32, #tpu.memory_space<smem>>
      memref.store %swap3A_97, %arg12[%swap3A_98] : memref<3xf32, #tpu.memory_space<smem>>
      %swap3A_100 = arith.constant 0.000000e+00 : f32
      %swap3A_101 = arith.constant 2 : index
      %swap3A_102 = memref.load %arg12[%swap3A_101] : memref<3xf32, #tpu.memory_space<smem>>
      memref.store %swap3A_100, %arg12[%swap3A_101] : memref<3xf32, #tpu.memory_space<smem>>
    } else {
    }
    %get3A = arith.constant 0 : index
    %get3A_2 = arith.constant 0 : index
    %get3A_3 = arith.constant 0 : index
    %get3A_4 = vector.load %arg1[%get3A, %get3A_2, %get3A_3] : memref<13x16x1024xf32, #tpu.memory_space<vmem>>, vector<13x16x1024xf32>
    %reshape3A = vector.shape_cast %get3A_4 : vector<13x16x1024xf32> to vector<208x1024xf32>
    %get3A_5 = arith.constant 0 : index
    %get3A_6 = arith.constant 0 : index
    %get3A_7 = vector.load %arg3[%get3A_5, %get3A_6] : memref<64x208xf32, #tpu.memory_space<vmem>>, vector<64x208xf32>
    %dot_general3A = arith.constant dense<0.000000e+00> : vector<64x1024xf32>
    %dot_general3A_8 = tpu.matmul %get3A_7, %reshape3A, %dot_general3A {dimension_numbers = #tpu.dot_dimension_numbers<[1], [0], [0], [1], [0, 0, 1, 1], [], []>, transpose_lhs_hint = false} : vector<64x208xf32>, vector<208x1024xf32>, vector<64x1024xf32> -> vector<64x1024xf32>
    %get3A_9 = arith.constant 0 : index
    %get3A_10 = arith.constant 0 : index
    %get3A_11 = vector.load %arg4[%get3A_9, %get3A_10] : memref<64x1xf32, #tpu.memory_space<vmem>>, vector<64x1xf32>
    %add3A = vector.broadcast %get3A_11 : vector<64x1xf32> to vector<64x1024xf32>
    %add3A_12 = arith.addf %dot_general3A_8, %add3A : vector<64x1024xf32>
    %max3A = arith.constant 0.000000e+00 : f32
    %max3A_13 = vector.broadcast %max3A : f32 to vector<64x1024xf32>
    %max3A_14 = arith.maximumf %add3A_12, %max3A_13 : vector<64x1024xf32>
    %get3A_15 = arith.constant 0 : index
    %get3A_16 = arith.constant 0 : index
    %get3A_17 = vector.load %arg5[%get3A_15, %get3A_16] : memref<32x64xf32, #tpu.memory_space<vmem>>, vector<32x64xf32>
    %dot_general3A_18 = arith.constant dense<0.000000e+00> : vector<32x1024xf32>
    %dot_general3A_19 = tpu.matmul %get3A_17, %max3A_14, %dot_general3A_18 {dimension_numbers = #tpu.dot_dimension_numbers<[1], [0], [0], [1], [0, 0, 1, 1], [], []>, transpose_lhs_hint = false} : vector<32x64xf32>, vector<64x1024xf32>, vector<32x1024xf32> -> vector<32x1024xf32>
    %get3A_20 = arith.constant 0 : index
    %get3A_21 = arith.constant 0 : index
    %get3A_22 = vector.load %arg6[%get3A_20, %get3A_21] : memref<32x1xf32, #tpu.memory_space<vmem>>, vector<32x1xf32>
    %add3A_23 = vector.broadcast %get3A_22 : vector<32x1xf32> to vector<32x1024xf32>
    %add3A_24 = arith.addf %dot_general3A_19, %add3A_23 : vector<32x1024xf32>
    %max3A_25 = arith.constant 0.000000e+00 : f32
    %max3A_26 = vector.broadcast %max3A_25 : f32 to vector<32x1024xf32>
    %max3A_27 = arith.maximumf %add3A_24, %max3A_26 : vector<32x1024xf32>
    %get3A_28 = arith.constant 0 : index
    %get3A_29 = arith.constant 0 : index
    %get3A_30 = arith.constant 0 : index
    %get3A_31 = vector.load %arg2[%get3A_28, %get3A_29, %get3A_30] : memref<13x16x1024xf32, #tpu.memory_space<vmem>>, vector<13x16x1024xf32>
    %reshape3A_32 = vector.shape_cast %get3A_31 : vector<13x16x1024xf32> to vector<208x1024xf32>
    %get3A_33 = arith.constant 0 : index
    %get3A_34 = arith.constant 0 : index
    %get3A_35 = vector.load %arg7[%get3A_33, %get3A_34] : memref<64x208xf32, #tpu.memory_space<vmem>>, vector<64x208xf32>
    %dot_general3A_36 = arith.constant dense<0.000000e+00> : vector<64x1024xf32>
    %dot_general3A_37 = tpu.matmul %get3A_35, %reshape3A_32, %dot_general3A_36 {dimension_numbers = #tpu.dot_dimension_numbers<[1], [0], [0], [1], [0, 0, 1, 1], [], []>, transpose_lhs_hint = false} : vector<64x208xf32>, vector<208x1024xf32>, vector<64x1024xf32> -> vector<64x1024xf32>
    %get3A_38 = arith.constant 0 : index
    %get3A_39 = arith.constant 0 : index
    %get3A_40 = vector.load %arg8[%get3A_38, %get3A_39] : memref<64x1xf32, #tpu.memory_space<vmem>>, vector<64x1xf32>
    %add3A_41 = vector.broadcast %get3A_40 : vector<64x1xf32> to vector<64x1024xf32>
    %add3A_42 = arith.addf %dot_general3A_37, %add3A_41 : vector<64x1024xf32>
    %max3A_43 = arith.constant 0.000000e+00 : f32
    %max3A_44 = vector.broadcast %max3A_43 : f32 to vector<64x1024xf32>
    %max3A_45 = arith.maximumf %add3A_42, %max3A_44 : vector<64x1024xf32>
    %get3A_46 = arith.constant 0 : index
    %get3A_47 = arith.constant 0 : index
    %get3A_48 = vector.load %arg9[%get3A_46, %get3A_47] : memref<32x64xf32, #tpu.memory_space<vmem>>, vector<32x64xf32>
    %dot_general3A_49 = arith.constant dense<0.000000e+00> : vector<32x1024xf32>
    %dot_general3A_50 = tpu.matmul %get3A_48, %max3A_45, %dot_general3A_49 {dimension_numbers = #tpu.dot_dimension_numbers<[1], [0], [0], [1], [0, 0, 1, 1], [], []>, transpose_lhs_hint = false} : vector<32x64xf32>, vector<64x1024xf32>, vector<32x1024xf32> -> vector<32x1024xf32>
    %get3A_51 = arith.constant 0 : index
    %get3A_52 = arith.constant 0 : index
    %get3A_53 = vector.load %arg10[%get3A_51, %get3A_52] : memref<32x1xf32, #tpu.memory_space<vmem>>, vector<32x1xf32>
    %add3A_54 = vector.broadcast %get3A_53 : vector<32x1xf32> to vector<32x1024xf32>
    %add3A_55 = arith.addf %dot_general3A_50, %add3A_54 : vector<32x1024xf32>
    %max3A_56 = arith.constant 0.000000e+00 : f32
    %max3A_57 = vector.broadcast %max3A_56 : f32 to vector<32x1024xf32>
    %max3A_58 = arith.maximumf %add3A_55, %max3A_57 : vector<32x1024xf32>
    %get3A_59 = arith.constant 0 : index
    %get3A_60 = memref.load %arg12[%get3A_59] : memref<3xf32, #tpu.memory_space<smem>>
    %mul3A = arith.mulf %max3A_27, %max3A_58 : vector<32x1024xf32>
    %reduce_sum3A = vector.shape_cast %mul3A : vector<32x1024xf32> to vector<1x32x1024xf32>
    %reduce_sum3A_61 = arith.constant dense<0.000000e+00> : vector<1xf32>
    %reduce_sum3A_62 = vector.multi_reduction <add>, %reduce_sum3A, %reduce_sum3A_61 [1, 2] : vector<1x32x1024xf32> to vector<1xf32>
    %reduce_sum3A_63 = vector.shape_cast %reduce_sum3A_62 : vector<1xf32> to vector<1x1x1xf32>
    %reduce_sum3A_64 = vector.extract %reduce_sum3A_63[0, 0, 0] : f32 from vector<1x1x1xf32>
    %add3A_65 = arith.addf %get3A_60, %reduce_sum3A_64 : f32
    %swap3A = arith.constant 0 : index
    %swap3A_66 = memref.load %arg12[%swap3A] : memref<3xf32, #tpu.memory_space<smem>>
    memref.store %add3A_65, %arg12[%swap3A] : memref<3xf32, #tpu.memory_space<smem>>
    %get3A_67 = arith.constant 1 : index
    %get3A_68 = memref.load %arg12[%get3A_67] : memref<3xf32, #tpu.memory_space<smem>>
    %mul3A_69 = arith.mulf %max3A_27, %max3A_27 : vector<32x1024xf32>
    %reduce_sum3A_70 = vector.shape_cast %mul3A_69 : vector<32x1024xf32> to vector<1x32x1024xf32>
    %reduce_sum3A_71 = arith.constant dense<0.000000e+00> : vector<1xf32>
    %reduce_sum3A_72 = vector.multi_reduction <add>, %reduce_sum3A_70, %reduce_sum3A_71 [1, 2] : vector<1x32x1024xf32> to vector<1xf32>
    %reduce_sum3A_73 = vector.shape_cast %reduce_sum3A_72 : vector<1xf32> to vector<1x1x1xf32>
    %reduce_sum3A_74 = vector.extract %reduce_sum3A_73[0, 0, 0] : f32 from vector<1x1x1xf32>
    %add3A_75 = arith.addf %get3A_68, %reduce_sum3A_74 : f32
    %swap3A_76 = arith.constant 1 : index
    %swap3A_77 = memref.load %arg12[%swap3A_76] : memref<3xf32, #tpu.memory_space<smem>>
    memref.store %add3A_75, %arg12[%swap3A_76] : memref<3xf32, #tpu.memory_space<smem>>
    %get3A_78 = arith.constant 2 : index
    %get3A_79 = memref.load %arg12[%get3A_78] : memref<3xf32, #tpu.memory_space<smem>>
    %mul3A_80 = arith.mulf %max3A_58, %max3A_58 : vector<32x1024xf32>
    %reduce_sum3A_81 = vector.shape_cast %mul3A_80 : vector<32x1024xf32> to vector<1x32x1024xf32>
    %reduce_sum3A_82 = arith.constant dense<0.000000e+00> : vector<1xf32>
    %reduce_sum3A_83 = vector.multi_reduction <add>, %reduce_sum3A_81, %reduce_sum3A_82 [1, 2] : vector<1x32x1024xf32> to vector<1xf32>
    %reduce_sum3A_84 = vector.shape_cast %reduce_sum3A_83 : vector<1xf32> to vector<1x1x1xf32>
    %reduce_sum3A_85 = vector.extract %reduce_sum3A_84[0, 0, 0] : f32 from vector<1x1x1xf32>
    %add3A_86 = arith.addf %get3A_79, %reduce_sum3A_85 : f32
    %swap3A_87 = arith.constant 2 : index
    %swap3A_88 = memref.load %arg12[%swap3A_87] : memref<3xf32, #tpu.memory_space<smem>>
    memref.store %add3A_86, %arg12[%swap3A_87] : memref<3xf32, #tpu.memory_space<smem>>
    %eq3A_89 = arith.constant 15 : i32
    %eq3A_90 = arith.cmpi eq, %arg0, %eq3A_89 : i32
    %convert_element_type3A_91 = arith.extui %eq3A_90 : i1 to i32
    %cond3A_92 = arith.constant 0 : i32
    %cond3A_93 = arith.cmpi ne, %convert_element_type3A_91, %cond3A_92 : i32
    scf.if %cond3A_93 {
      %get3A_94 = arith.constant 0 : index
      %get3A_95 = memref.load %arg12[%get3A_94] : memref<3xf32, #tpu.memory_space<smem>>
      %get3A_96 = arith.constant 1 : index
      %get3A_97 = memref.load %arg12[%get3A_96] : memref<3xf32, #tpu.memory_space<smem>>
      %get3A_98 = arith.constant 2 : index
      %get3A_99 = memref.load %arg12[%get3A_98] : memref<3xf32, #tpu.memory_space<smem>>
      %mul3A_100 = arith.mulf %get3A_97, %get3A_99 : f32
      %sqrt3A = math.sqrt %mul3A_100 : f32
      %div3A = arith.divf %get3A_95, %sqrt3A : f32
      %neg3A = arith.constant 0.000000e+00 : f32
      %neg3A_101 = arith.subf %neg3A, %div3A : f32
      %exp3A = math.exp %neg3A_101 : f32
      %add3A_102 = arith.constant 1.000000e+00 : f32
      %add3A_103 = arith.addf %add3A_102, %exp3A : f32
      %div3A_104 = arith.constant 1.000000e+00 : f32
      %div3A_105 = arith.divf %div3A_104, %add3A_103 : f32
      %swap3A_106 = arith.constant 0 : index
      %swap3A_107 = arith.constant 0 : index
      %swap3A_108 = memref.load %arg11[%swap3A_106, %swap3A_107] : memref<1x1xf32, #tpu.memory_space<smem>>
      memref.store %div3A_105, %arg11[%swap3A_106, %swap3A_107] : memref<1x1xf32, #tpu.memory_space<smem>>
    } else {
    }
    return
  }
  func.func @transform_0(%arg0: i32) -> (i32, i32, i32) {
    %c0_i32 = arith.constant 0 : i32
    %c0_i32_0 = arith.constant 0 : i32
    %c0_i32_1 = arith.constant 0 : i32
    return %c0_i32, %c0_i32_0, %arg0 : i32, i32, i32
  }
  func.func @transform_1(%arg0: i32) -> (i32, i32, i32) {
    %c0_i32 = arith.constant 0 : i32
    %c0_i32_0 = arith.constant 0 : i32
    %c0_i32_1 = arith.constant 0 : i32
    return %c0_i32, %c0_i32_0, %arg0 : i32, i32, i32
  }
  func.func @transform_2(%arg0: i32) -> (i32, i32) {
    %c0_i32 = arith.constant 0 : i32
    %c0_i32_0 = arith.constant 0 : i32
    %c0_i32_1 = arith.constant 0 : i32
    return %c0_i32, %c0_i32_0 : i32, i32
  }
  func.func @transform_3(%arg0: i32) -> (i32, i32) {
    %c0_i32 = arith.constant 0 : i32
    %c0_i32_0 = arith.constant 0 : i32
    %c0_i32_1 = arith.constant 0 : i32
    return %c0_i32, %c0_i32_0 : i32, i32
  }
  func.func @transform_4(%arg0: i32) -> (i32, i32) {
    %c0_i32 = arith.constant 0 : i32
    %c0_i32_0 = arith.constant 0 : i32
    %c0_i32_1 = arith.constant 0 : i32
    return %c0_i32, %c0_i32_0 : i32, i32
  }
  func.func @transform_5(%arg0: i32) -> (i32, i32) {
    %c0_i32 = arith.constant 0 : i32
    %c0_i32_0 = arith.constant 0 : i32
    %c0_i32_1 = arith.constant 0 : i32
    return %c0_i32, %c0_i32_0 : i32, i32
  }
  func.func @transform_6(%arg0: i32) -> (i32, i32) {
    %c0_i32 = arith.constant 0 : i32
    %c0_i32_0 = arith.constant 0 : i32
    %c0_i32_1 = arith.constant 0 : i32
    return %c0_i32, %c0_i32_0 : i32, i32
  }
  func.func @transform_7(%arg0: i32) -> (i32, i32) {
    %c0_i32 = arith.constant 0 : i32
    %c0_i32_0 = arith.constant 0 : i32
    %c0_i32_1 = arith.constant 0 : i32
    return %c0_i32, %c0_i32_0 : i32, i32
  }
  func.func @transform_8(%arg0: i32) -> (i32, i32) {
    %c0_i32 = arith.constant 0 : i32
    %c0_i32_0 = arith.constant 0 : i32
    %c0_i32_1 = arith.constant 0 : i32
    return %c0_i32, %c0_i32_0 : i32, i32
  }
  func.func @transform_9(%arg0: i32) -> (i32, i32) {
    %c0_i32 = arith.constant 0 : i32
    %c0_i32_0 = arith.constant 0 : i32
    %c0_i32_1 = arith.constant 0 : i32
    return %c0_i32, %c0_i32_0 : i32, i32
  }
  func.func @transform_10(%arg0: i32) -> (i32, i32) {
    %c0_i32 = arith.constant 0 : i32
    %c0_i32_0 = arith.constant 0 : i32
    %c0_i32_1 = arith.constant 0 : i32
    return %c0_i32, %c0_i32_0 : i32, i32
  }
}

</mosaic_0001>

<sc_bundles>
// kernel: kernel.4.cloned.1.call-start
scs
__scs_entry_jumppad:
0x0: {  	(pc) =	sbr.rel $0x88, $3  }
0x1: {  	(tag) =	ssettag $0x0;
	lr =	simm.s32 $0x1  }
0x2: {  	[smem:$0x3F95] =	sst lr;
	_ =	strace $0xD0000000  }
0x3: {  	_ = 	snop  }
0x4: {  	_ = 	snop  }
0x5: {  	_ = 	snop  }
0x6: {  	_ = 	snop  }
0x7: {  	_ = 	snop  }
__scs_overlays_trampoline_lowered:
0x8: {  	[smem:$0x3FA4] =	sst s0  }
0x9: {  	[smem:$0x3FA5] =	sst s1  }
0xa: {  	[smem:$0x3FA6] =	sst s2  }
0xb: {  	[smem:$0x3FA7] =	sst s3  }
0xc: {  	[smem:$0x3FA8] =	sst s4  }
0xd: {  	[smem:$0x3FA9] =	sst s5  }
0xe: {  	[smem:$0x3FAA] =	sst s6  }
0xf: {  	[smem:$0x3FAB] =	sst s7  }
0x10: {  	[smem:$0x3FAC] =	sst s8  }
0x11: {  	[smem:$0x3FAD] =	sst s9;
	s0 =	simm.s32 @!p0 $0x0  }
0x12: {  	s1 =	sld [smem:$0x3F93];
	s0 =	simm.s32 @p0 $0x1  }
0x13: {  	[smem:$0x3FAE] =	sst s0;
	s0 =	simm.s32 @!p1 $0x0  }
0x14: {  	s2 =	sld [smem:$0x3F92];
	s0 =	simm.s32 @p1 $0x1  }
0x15: {  	[smem:$0x3FAF] =	sst s0;
	s0 =	simm.s32 @!p2 $0x0  }
0x16: {  	s3 =	sld [smem:$0x3FDB];
	s0 =	simm.s32 @p2 $0x1  }
0x17: {  	s4 =	simm.s32 $0x1BF5;
	[smem:$0x3FB1] =	sst s0  }
0x18: {  	s0 =	sld [smem:$0x3F94];
	_ =	swait.ge [sflag:s4], $0x0  }
0x19: {  	s7 =	sld [smem:$0x3F95]  }
0x1a: {  	s8 =	sadd.s32 $0xFFFFE003, lr  }
0x1b: {  	s9 =	sadd.s32 $0xFFFFFEF7, lr;
	s5 =	simm.s32 $0xFFFFFFFF;
	p2 =	slt.u32 s8, $0xFFFFF086  }
0x1c: {  	p1 =	slt.u32 s9, $0xF7A;
	s5 =	simm.s32 @!p2 $0x0  }
0x1d: {  	s5 =	simm.s32 @p1 $0x1;
	p0 =	seq.s32 s7, s2  }
0x1e: {  	s7 =	smul.u32 @!p0 $0xF7A, s2;
	p2 =	seq.s32 @!p0 s5, $0x0  }
0x1f: {  	s9 =	smul.u32 $0xF7A, s1;
	s8 =	simm.s32 @!p0 $0x1BF5;
	p2 =	por !p2, p0  }
0x20: {  	[sflag:s8] =	ssyncset.s32 @!p0 $0xFFFFF086;
	s6 =	sadd.s32 @!p0 s3, s7;
	s7 =	simm.s32 @!p0 $0x108  }
0x21: {  	s3 =	sadd.s32 s3, s9;
	s6 =	sadd.s32 @!p0 $0x88, s6;
	s7 =	simm.s32 @p2 $0x1082  }
0x22: {  	[simem:s7], [sflag:s8] =	dma.local @!p0 [hbm:s6], $0xF7A  }
0x23: {  	s9 =	sor.u32 $0xD0000000, s2;
	s6 =	simm.s32 $0x108;
	_ =	swait.ge @!p0 [sflag:s8], $0x0  }
0x24: {  	s3 =	sadd.s32 $0x88, s3;
	s6 =	simm.s32 @!p1 $0x1082;
	[sflag:s4] =	ssyncset.s32 $0xFFFFF086  }
0x25: {  	[simem:s6], [sflag:s4] =	dma.local [hbm:s3], $0xF7A  }
0x26: {  	[smem:$0x3F95] =	sst s1;
	(tag) =	ssettag s2;
	_ =	strace s9  }
0x27: {  	s1 =	sld [smem:$0x3FA5]  }
0x28: {  	s2 =	sld [smem:$0x3FA6]  }
0x29: {  	s4 =	sld [smem:$0x3FA8]  }
0x2a: {  	p0 =	seq.s32 s5, $0x0;
	s5 =	sld [smem:$0x3FA9]  }
0x2b: {  	s6 =	sld [smem:$0x3FAA]  }
0x2c: {  	s7 =	sld [smem:$0x3FAB]  }
0x2d: {  	s3 =	simm.s32 $0x108;
	s8 =	sld [smem:$0x3FAC]  }
0x2e: {  	s3 =	simm.s32 @!p0 $0x1082;
	s9 =	sld [smem:$0x3FAD]  }
0x2f: {  	lr =	sadd.s32 s0, s3;
	s0 =	sld [smem:$0x3FA4]  }
0x30: {  	s3 =	sld [smem:$0x3FA7]  }
0x31: {  	[smem:$0x3FB0] =	sst s10  }
0x32: {  	s10 =	sld [smem:$0x3FAE];
	_ =	sdelay $0x3  }
0x33: {  	p0 =	seq.s32 s10, $0x1;
	s10 =	sld [smem:$0x3FB0];
	_ =	sdelay $0x3  }
0x34: {  	[smem:$0x3FB0] =	sst s10  }
0x35: {  	s10 =	sld [smem:$0x3FAF];
	_ =	sdelay $0x3  }
0x36: {  	p1 =	seq.s32 s10, $0x1;
	s10 =	sld [smem:$0x3FB0];
	_ =	sdelay $0x3  }
0x37: {  	[smem:$0x3FB0] =	sst s10  }
0x38: {  	s10 =	sld [smem:$0x3FB1]  }
0x39: {  	_ = 	snop;
	(pc) =	sbr.ind lr, $3  }
0x3a: {  	_ = 	snop  }
0x3b: {  	_ = 	snop  }
0x3c: {  	p2 =	seq.s32 s10, $0x1;
	s10 =	sld [smem:$0x3FB0]  }
0x3d: {  	_ =	shalt  }
0x3e: {  	_ =	shalt  }
0x3f: {  	_ =	shalt  }
0x40: {  	_ =	shalt  }
0x41: {  	_ =	shalt  }
0x42: {  	_ =	shalt  }
0x43: {  	_ =	shalt  }
0x44: {  	_ =	shalt  }
0x45: {  	_ =	shalt  }
0x46: {  	_ =	shalt  }
0x47: {  	_ =	shalt  }
0x48: {  	_ =	shalt  }
0x49: {  	_ =	shalt  }
0x4a: {  	_ =	shalt  }
0x4b: {  	_ =	shalt  }
0x4c: {  	_ =	shalt  }
0x4d: {  	_ =	shalt  }
0x4e: {  	_ =	shalt  }
0x4f: {  	_ =	shalt  }
0x50: {  	_ =	shalt  }
0x51: {  	_ =	shalt  }
0x52: {  	_ =	shalt  }
0x53: {  	_ =	shalt  }
0x54: {  	_ =	shalt  }
0x55: {  	_ =	shalt  }
0x56: {  	_ =	shalt  }
0x57: {  	_ =	shalt  }
0x58: {  	_ =	shalt  }
0x59: {  	_ =	shalt  }
0x5a: {  	_ =	shalt  }
0x5b: {  	_ =	shalt  }
0x5c: {  	_ =	shalt  }
0x5d: {  	_ =	shalt  }
0x5e: {  	_ =	shalt  }
0x5f: {  	_ =	shalt  }
0x60: {  	_ =	shalt  }
0x61: {  	_ =	shalt  }
0x62: {  	_ =	shalt  }
0x63: {  	_ =	shalt  }
0x64: {  	_ =	shalt  }
0x65: {  	_ =	shalt  }
0x66: {  	_ =	shalt  }
0x67: {  	_ =	shalt  }
0x68: {  	_ =	shalt  }
0x69: {  	_ =	shalt  }
0x6a: {  	_ =	shalt  }
0x6b: {  	_ =	shalt  }
0x6c: {  	_ =	shalt  }
0x6d: {  	_ =	shalt  }
0x6e: {  	_ =	shalt  }
0x6f: {  	_ =	shalt  }
0x70: {  	_ =	shalt  }
0x71: {  	_ =	shalt  }
0x72: {  	_ =	shalt  }
0x73: {  	_ =	shalt  }
0x74: {  	_ =	shalt  }
0x75: {  	_ =	shalt  }
0x76: {  	_ =	shalt  }
0x77: {  	_ =	shalt  }
0x78: {  	_ =	shalt  }
0x79: {  	_ =	shalt  }
0x7a: {  	_ =	shalt  }
0x7b: {  	_ =	shalt  }
0x7c: {  	_ =	shalt  }
0x7d: {  	_ =	shalt  }
0x7e: {  	_ =	shalt  }
0x7f: {  	_ =	shalt  }
0x80: {  	_ =	shalt  }
0x81: {  	_ =	shalt  }
0x82: {  	_ =	shalt  }
0x83: {  	_ =	shalt  }
0x84: {  	_ =	shalt  }
0x85: {  	_ =	shalt  }
0x86: {  	_ =	shalt  }
0x87: {  	_ =	shalt  }
.Lfunc_end0:
.L_simem_size_0:
called_computation_lowered:
.L_overlay_start_0:
0x88: {  	s2 =	sld [smem:$0x3FD9]  }
0x89: {  	s3 =	sld [smem:$0x3FFE];
	_ =	sdelay $0x1  }
0x8a: {  	s1 =	srdreg.scid  }
0x8b: {  	s0 =	sand.u32 $0x1, s1  }
0x8c: {  	s17 =	sshll.u32 s0, $0xA;
	s2 =	sadd.s32 s3, s2  }
0x8d: {  	s2 =	sadd.s32 s2, s17  }
0x8e: {  	[smem:$0x3FBC] =	sst s2  }
0x8f: {  	_ = 	snop  }
0x90: {  	s2 =	sld [smem:$0x3FC9]  }
0x91: {  	s18 =	sld [smem:$0x3FC8]  }
0x92: {  	s4 =	sld [smem:$0x3FC7]  }
0x93: {  	s5 =	sld [smem:$0x3FC6];
	(tm) =	ssettm $0x1  }
0x94: {  	s6 =	sld [smem:$0x3FFB];
	_ =	sdelay $0x3  }
0x95: {  	_ =	strace s6  }
0x96: {  	s6 =	sld [smem:$0x3FFC];
	_ =	sdelay $0x3  }
0x97: {  	_ =	strace s6  }
0x98: {  	s6 =	sld [smem:$0x3FFD];
	_ =	sdelay $0x3  }
0x99: {  	_ =	strace s6  }
0x9a: {  	_ =	strace $0x8FFFFFFF  }
0x9b: {  	s19 =	sld [smem:$0x3FDB];
	_ =	sdelay $0x1  }
0x9c: {  	s7 =	simm.s32 $_scs_section_size  }
0x9d: {  	s8 =	simm.s32 $_size__tile_overlayer_lowered;
	s9 =	simm.s32 $_tile_overlayer_lowered  }
0x9e: {  	s22 =	simm.s32 $0x1BFF;
	s21 =	sshll.u32 s9, $0x1;
	s6 =	sadd.s32 s7, s19  }
0x9f: {  	s10 =	simm.s32 $0x0;
	s20 =	sshll.u32 s8, $0x1;
	s8 =	sadd.s32 s21, s6  }
0xa0: {  	[timem:s10], [sflag:s22] =	dma.local [hbm:s8], s20  }
0xa1: {  	_ =	swait.ge [sflag:s22], s20  }
0xa2: {  	s7 =	ssub.s32 $0x0, s20;
	[sflag:s22] =	ssyncset.done $0x0  }
0xa3: {  	[sflag:s22] =	ssyncadd.s32 s7;
	_ =	sdelay $0x1  }
0xa4: {  	s23 =	simm.s32 $0x1B8B  }
0xa5: {  	_ =	swait.ge [sflag:s23], $0x1  }
0xa6: {  	[sflag:s23] =	ssyncset.done $0x0  }
0xa7: {  	s25 =	simm.s32 $0x1B8E;
	s24 =	sld [smem:$0x3FFE];
	[sflag:s23] =	ssyncadd.s32 $0xFFFFFFFF  }
0xa8: {  	s26 =	simm.s32 $execute0_lowered;
	[smem:$0x3FD2] =	sst s25  }
0xa9: {  	s8 =	sshll.u32 s26, $0x1;
	_ =	strace $0x80000046;
	[dreg:$0x1] =	wrdreg $0xFFFFFFFF  }
0xaa: {  	s28 =	simm.s32 $_size_execute0_lowered;
	s6 =	sadd.s32 s6, s8;
	[dreg:$0x0] =	wrdreg $0x0  }
0xab: {  	s8 =	sshll.u32 s28, $0x1;
	[dreg:$0x2] =	wrdreg s6  }
0xac: {  	[dreg:$0x3] =	wrdreg s8  }
0xad: {  	[dreg:$0x4] =	wrdreg $0xC0  }
0xae: {  	_ =	task [dreg:s10], $0x5FFFF  }
0xaf: {  	[dreg:$0x1] =	wrdreg $0xFFFFFFFF  }
0xb0: {  	[dreg:$0x0] =	wrdreg $0x60  }
0xb1: {  	[dreg:$0x2] =	wrdreg s4  }
0xb2: {  	[dreg:$0x3] =	wrdreg s5  }
0xb3: {  	[dreg:$0x4] =	wrdreg s2  }
0xb4: {  	[dreg:$0x5] =	wrdreg s18  }
0xb5: {  	[dreg:$0x6] =	wrdreg s24  }
0xb6: {  	[dreg:$0x7] =	wrdreg $0x9  }
0xb7: {  	_ =	task.clear_ibuf [dreg:s10], $0x8FFFF;
	_ =	strace $0x90000046  }
0xb8: {  	s29 =	simm.s32 $0x9;
	_ =	strace $0x80000048  }
0xb9: {  	_ =	swait.ge [sflag:s29], $0x1  }
0xba: {  	[sflag:s29] =	ssyncadd.s32 $0xFFFFFFFF  }
0xbb: {  	_ =	strace $0x90000048  }
0xbc: {  	_ =	sfence  }
0xbd: {  	s30 =	sld [smem:$0x0];
	_ =	sdelay $0x2  }
0xbe: {  	s31 =	sshll.u32 s1, $0xD;
	s1 =	sshrl.u32 s1, $0x2  }
0xbf: {  	s3 =	sand.u32 $0x4000, s31;
	s1 =	sadd.s32 s1, s30  }
0xc0: {  	s0 =	sor.u32 s3, s0;
	s1 =	sshll.u32 s1, $0x11  }
0xc1: {  	s0 =	sor.u32 s1, s0  }
0xc2: {  	s0 =	sadd.s32 $0x8F2B, s0  }
0xc3: {  	[sflag:s0] =	ssyncadd.remote.s32 $0x1  }
0xc4: {  	_ =	sfence.sel $0xFFFF  }
0xc5: {  	[dreg:$0x0] =	wrdreg $0xFFFFFFFF;
	(pc) =	sbr.abs _section_cstart, $3  }
0xc6: {  	[dreg:$0x1] =	wrdreg $0xFFFFFFFF  }
0xc7: {  	_ =	task.clear_ibuf [dreg:s10], $0x2FFFF;
	_ =	strace $0x9FFFFFFF  }
0xc8: {  	(tm) =	ssettm $0x7FFFFFFF  }
0xc9: {  	_ =	shalt  }
tec
execute0_lowered:
.L_overlay_start_1:
0x0: {  	(tag) =	ssettag $0x1  }
0x1: {  	s1 =	rddreg [dreg:$0x0]  }
0x2: {  	s2 =	rddreg [dreg:$0x1]  }
0x3: {  	s3 =	rddreg [dreg:$0x2]  }
0x4: {  	s4 =	rddreg [dreg:$0x3]  }
0x5: {  	s8 =	rddreg [dreg:$0x4]  }
0x6: {  	s0 =	rddreg [dreg:$0x5]  }
0x7: {  	s6 =	simm.s32 $0x0;
	s9 =	srdreg.scid;
	s5 =	stileid.u32  }
0x8: {  	s15 =	simm.s32 $0x18700;
	s16 =	simm.s32 $0x1A700;
	s17 =	simm.s32 $0x0  }
0x9: {  	[smem:$0x7FF] =	sst s6;
	s7 =	sadd.s32 $0x1A00, s8;
	s12 =	sand.u32 $0x1, s9  }
0xa: {  	s10 =	sshrl.u32 s5, $0x3;
	s11 =	sshll.u32 s5, $0x7;
	s8 =	sadd.s32 $0x69A00, s8  }
.Ltmp0:
0xb: {  	_ =	strace $0x80000047;
	s9 =	ssub.s32 $0x2, s12;
	(pc) =	sbr.rel .LBB2_1-.Ltmp0, $4  }
0xc: {  	s13 =	smul.u32 $0xC3800, s10;
	s11 =	sand.u32 $0x380, s11;
	s31 =	sshll.u32 s10, $0x11  }
0xd: {  	p0 =	sne.s32 s12, $0x0;
	s12 =	simm.s32 $0x80;
	s14 =	sshrl.u32 s9, $0x1  }
0xe: {  	s14 =	ssub.s32 s9, s14;
	s9 =	sor.u32 s11, s13;
	s11 =	sor.u32 s31, s11  }
0xf: {  	s13 =	simm.s32 $0x400;
	s10 =	smax.u32 s14, $0x1;
	s14 =	simm.s32 $0x1  }
.LBB2_12:
0x10: {  	s17 =	sadd.s32 $0x1, s17  }
0x11: {  	p1 =	sne.s32 s17, s10  }
.Ltmp1:
0x12: {  	_ = 	snop;
	(pc) =	sbr.rel @!p1 .LBB2_13-.Ltmp1, $1  }
0x13: {  	_ =	sdelay $0x3  }
.LBB2_1:
.Ltmp2:
0x14: {  	(pc) =	sbr.rel @p0 .LBB2_7-.Ltmp2, $2  }
0x15: {  	_ =	sdelay $0x2  }
0x16: {  	s18 =	simm.s32 $0x0;
	s19 =	simm.s32 $0x0  }
.LBB2_2:
0x17: {  	s19 =	smul.u32 $0x187000, s18;
	_ =	sdelay $0x1  }
0x18: {  	s19 =	sadd.s32 s9, s19  }
0x19: {  	s20 =	simm.s32 $0x0;
	s19 =	sshrl.u32 s19, $0x3  }
0x1a: {  	s30 =	sshll.u32 s18, $0x7;
	s21 =	sshll.u32 s18, $0xE;
	s19 =	sadd.s32 s1, s19  }
0x1b: {  	[tilespmem:s20], [sflag:$0x1] =	stream.strided.gather [hbm4b:s19+s12], $0x18700, s13, s12, $0x38;
	[tilespmem:$0x1C700] =	vst v63  }
0x1c: {  	s31 =	sshll.u32 s18, $0x12;
	p2 =	por $0x1, $0x1;
	_ =	swait.ge [sflag:s14], $0x18700  }
0x1d: {  	s21 =	sand.u32 $0x20000, s21;
	s19 =	sand.u32 $0x380, s30;
	[sflag:s14] =	ssyncset.done $0x0  }
0x1e: {  	s19 =	sor.u32 s19, s21;
	s21 =	sor.u32 s11, s31;
	[sflag:s14] =	ssyncadd.s32 $0xFFFE7900  }
.LBB2_3:
0x1f: {  	s22 =	sor.u32 s20, s19  }
0x20: {  	s22 =	sshrl.u32 s22, $0x3  }
0x21: {  	s22 =	sadd.s32 s3, s22  }
0x22: {  	[tilespmem:s15], [sflag:$0x1] =	stream.strided.gather [hbm4b:s22+s12], $0x2000, s13, s12, $0x38;
	[tilespmem:$0x1C700] =	vst v63  }
0x23: {  	_ =	swait.ge [sflag:s14], $0x2000  }
0x24: {  	[sflag:s14] =	ssyncset.done $0x0  }
0x25: {  	s22 =	simm.s32 $0x0;
	[sflag:s14] =	ssyncadd.s32 $0xFFFFE000  }
0x26: {  	v0 =	vld [tilespmem:s22+$0x18700];
	_ =	sdelay $0x5  }
0x27: {  	v1 =	vld [tilespmem:s22+$0x18710];
	_ =	sdelay $0x1  }
0x28: {  	v0 =	vld.idx.msk [tilespmem:v0+s6+$0x0], $0xffff;
	_ =	sdelay $0x4  }
0x29: {  	[tilespmem:s22+$0x1A700] =	vst v0;
	v0 =	vld [tilespmem:s22+$0x18720]  }
0x2a: {  	v1 =	vld.idx.msk [tilespmem:v1+s6+$0x0], $0xffff;
	_ =	sdelay $0x4  }
0x2b: {  	[tilespmem:s22+$0x1A710] =	vst v1;
	v1 =	vld [tilespmem:s22+$0x18730];
	_ =	sdelay $0x1  }
0x2c: {  	v0 =	vld.idx.msk [tilespmem:v0+s6+$0x0], $0xffff;
	_ =	sdelay $0x4  }
0x2d: {  	[tilespmem:s22+$0x1A720] =	vst v0;
	v0 =	vld [tilespmem:s22+$0x18740]  }
0x2e: {  	v1 =	vld.idx.msk [tilespmem:v1+s6+$0x0], $0xffff;
	_ =	sdelay $0x4  }
0x2f: {  	[tilespmem:s22+$0x1A730] =	vst v1;
	v1 =	vld [tilespmem:s22+$0x18750];
	_ =	sdelay $0x1  }
0x30: {  	v0 =	vld.idx.msk [tilespmem:v0+s6+$0x0], $0xffff;
	_ =	sdelay $0x4  }
0x31: {  	[tilespmem:s22+$0x1A740] =	vst v0;
	v0 =	vld [tilespmem:s22+$0x18760]  }
0x32: {  	v1 =	vld.idx.msk [tilespmem:v1+s6+$0x0], $0xffff;
	_ =	sdelay $0x4  }
0x33: {  	[tilespmem:s22+$0x1A750] =	vst v1;
	v1 =	vld [tilespmem:s22+$0x18770];
	_ =	sdelay $0x1  }
0x34: {  	v0 =	vld.idx.msk [tilespmem:v0+s6+$0x0], $0xffff;
	_ =	sdelay $0x4  }
0x35: {  	[tilespmem:s22+$0x1A760] =	vst v0;
	v0 =	vld [tilespmem:s22+$0x18780]  }
0x36: {  	v1 =	vld.idx.msk [tilespmem:v1+s6+$0x0], $0xffff;
	_ =	sdelay $0x4  }
0x37: {  	[tilespmem:s22+$0x1A770] =	vst v1;
	v1 =	vld [tilespmem:s22+$0x18790];
	_ =	sdelay $0x1  }
0x38: {  	v0 =	vld.idx.msk [tilespmem:v0+s6+$0x0], $0xffff;
	_ =	sdelay $0x4  }
0x39: {  	[tilespmem:s22+$0x1A780] =	vst v0;
	v0 =	vld [tilespmem:s22+$0x187A0]  }
0x3a: {  	v1 =	vld.idx.msk [tilespmem:v1+s6+$0x0], $0xffff;
	_ =	sdelay $0x4  }
0x3b: {  	[tilespmem:s22+$0x1A790] =	vst v1;
	v1 =	vld [tilespmem:s22+$0x187B0];
	_ =	sdelay $0x1  }
0x3c: {  	v0 =	vld.idx.msk [tilespmem:v0+s6+$0x0], $0xffff;
	_ =	sdelay $0x4  }
0x3d: {  	[tilespmem:s22+$0x1A7A0] =	vst v0;
	v0 =	vld [tilespmem:s22+$0x187C0]  }
0x3e: {  	v1 =	vld.idx.msk [tilespmem:v1+s6+$0x0], $0xffff;
	_ =	sdelay $0x4  }
0x3f: {  	[tilespmem:s22+$0x1A7B0] =	vst v1;
	v1 =	vld [tilespmem:s22+$0x187D0];
	_ =	sdelay $0x1  }
0x40: {  	v0 =	vld.idx.msk [tilespmem:v0+s6+$0x0], $0xffff;
	_ =	sdelay $0x4  }
0x41: {  	[tilespmem:s22+$0x1A7C0] =	vst v0;
	v0 =	vld [tilespmem:s22+$0x187E0]  }
0x42: {  	v1 =	vld.idx.msk [tilespmem:v1+s6+$0x0], $0xffff;
	_ =	sdelay $0x4  }
0x43: {  	[tilespmem:s22+$0x1A7D0] =	vst v1;
	v1 =	vld [tilespmem:s22+$0x187F0];
	_ =	sdelay $0x1  }
0x44: {  	v0 =	vld.idx.msk [tilespmem:v0+s6+$0x0], $0xffff;
	_ =	sdelay $0x4  }
0x45: {  	[tilespmem:s22+$0x1A7E0] =	vst v0;
	v0 =	vld [tilespmem:s22+$0x18800]  }
0x46: {  	v1 =	vld.idx.msk [tilespmem:v1+s6+$0x0], $0xffff;
	_ =	sdelay $0x4  }
0x47: {  	[tilespmem:s22+$0x1A7F0] =	vst v1;
	v1 =	vld [tilespmem:s22+$0x18810];
	_ =	sdelay $0x1  }
0x48: {  	v0 =	vld.idx.msk [tilespmem:v0+s6+$0x0], $0xffff;
	_ =	sdelay $0x4  }
0x49: {  	[tilespmem:s22+$0x1A800] =	vst v0;
	v0 =	vld [tilespmem:s22+$0x18820]  }
0x4a: {  	v1 =	vld.idx.msk [tilespmem:v1+s6+$0x0], $0xffff;
	_ =	sdelay $0x4  }
0x4b: {  	[tilespmem:s22+$0x1A810] =	vst v1;
	v1 =	vld [tilespmem:s22+$0x18830];
	_ =	sdelay $0x1  }
0x4c: {  	v0 =	vld.idx.msk [tilespmem:v0+s6+$0x0], $0xffff;
	_ =	sdelay $0x4  }
0x4d: {  	[tilespmem:s22+$0x1A820] =	vst v0;
	v0 =	vld [tilespmem:s22+$0x18840]  }
0x4e: {  	v1 =	vld.idx.msk [tilespmem:v1+s6+$0x0], $0xffff;
	_ =	sdelay $0x4  }
0x4f: {  	[tilespmem:s22+$0x1A830] =	vst v1;
	v1 =	vld [tilespmem:s22+$0x18850];
	_ =	sdelay $0x1  }
0x50: {  	v0 =	vld.idx.msk [tilespmem:v0+s6+$0x0], $0xffff;
	_ =	sdelay $0x4  }
0x51: {  	[tilespmem:s22+$0x1A840] =	vst v0;
	v0 =	vld [tilespmem:s22+$0x18860]  }
0x52: {  	v1 =	vld.idx.msk [tilespmem:v1+s6+$0x0], $0xffff;
	_ =	sdelay $0x4  }
0x53: {  	[tilespmem:s22+$0x1A850] =	vst v1;
	v1 =	vld [tilespmem:s22+$0x18870];
	_ =	sdelay $0x1  }
0x54: {  	v0 =	vld.idx.msk [tilespmem:v0+s6+$0x0], $0xffff;
	_ =	sdelay $0x4  }
0x55: {  	[tilespmem:s22+$0x1A860] =	vst v0;
	v0 =	vld [tilespmem:s22+$0x18880]  }
0x56: {  	v1 =	vld.idx.msk [tilespmem:v1+s6+$0x0], $0xffff;
	_ =	sdelay $0x4  }
0x57: {  	[tilespmem:s22+$0x1A870] =	vst v1;
	v1 =	vld [tilespmem:s22+$0x18890];
	_ =	sdelay $0x1  }
0x58: {  	v0 =	vld.idx.msk [tilespmem:v0+s6+$0x0], $0xffff;
	_ =	sdelay $0x4  }
0x59: {  	[tilespmem:s22+$0x1A880] =	vst v0;
	v0 =	vld [tilespmem:s22+$0x188A0]  }
0x5a: {  	v1 =	vld.idx.msk [tilespmem:v1+s6+$0x0], $0xffff;
	_ =	sdelay $0x4  }
0x5b: {  	[tilespmem:s22+$0x1A890] =	vst v1;
	v1 =	vld [tilespmem:s22+$0x188B0];
	_ =	sdelay $0x1  }
0x5c: {  	v0 =	vld.idx.msk [tilespmem:v0+s6+$0x0], $0xffff;
	_ =	sdelay $0x4  }
0x5d: {  	[tilespmem:s22+$0x1A8A0] =	vst v0;
	v0 =	vld [tilespmem:s22+$0x188C0]  }
0x5e: {  	v1 =	vld.idx.msk [tilespmem:v1+s6+$0x0], $0xffff;
	_ =	sdelay $0x4  }
0x5f: {  	[tilespmem:s22+$0x1A8B0] =	vst v1;
	v1 =	vld [tilespmem:s22+$0x188D0];
	_ =	sdelay $0x1  }
0x60: {  	v0 =	vld.idx.msk [tilespmem:v0+s6+$0x0], $0xffff;
	_ =	sdelay $0x4  }
0x61: {  	v2 =	vld [tilespmem:s22+$0x188E0];
	[tilespmem:s22+$0x1A8C0] =	vst v0  }
0x62: {  	v0 =	vld.idx.msk [tilespmem:v1+s6+$0x0], $0xffff;
	_ =	sdelay $0x4  }
0x63: {  	[tilespmem:s22+$0x1A8D0] =	vst v0;
	v0 =	vld [tilespmem:s22+$0x188F0];
	_ =	sdelay $0x1  }
0x64: {  	v1 =	vld.idx.msk [tilespmem:v2+s6+$0x0], $0xffff;
	_ =	sdelay $0x3  }
0x65: {  	p1 =	por p2, p2;
	s24 =	simm.s32 $0x200;
	s23 =	simm.s32 $0x1000  }
.LBB2_4:
0x66: {  	p2 =	sne.s32 s23, $0x7800;
	v2 =	vld [tilespmem:s24+$0x18700];
	[tilespmem:s22+$0x1A8E0] =	vst v1  }
0x67: {  	v0 =	vld.idx.msk [tilespmem:v0+s6+$0x0], $0xffff;
	_ =	sdelay $0x5  }
0x68: {  	v1 =	vld [tilespmem:s24+$0x18710];
	[tilespmem:s22+$0x1A8F0] =	vst v0;
	s22 =	smov.u32 s24  }
0x69: {  	v0 =	vld.idx.msk [tilespmem:v2+s6+$0x0], $0xffff;
	_ =	sdelay $0x5  }
0x6a: {  	[tilespmem:s22+$0x1A700] =	vst v0;
	v0 =	vld [tilespmem:s22+$0x18720]  }
0x6b: {  	v1 =	vld.idx.msk [tilespmem:v1+s6+$0x0], $0xffff;
	_ =	sdelay $0x5  }
0x6c: {  	[tilespmem:s22+$0x1A710] =	vst v1;
	v1 =	vld [tilespmem:s22+$0x18730]  }
0x6d: {  	v0 =	vld.idx.msk [tilespmem:v0+s6+$0x0], $0xffff;
	_ =	sdelay $0x5  }
0x6e: {  	[tilespmem:s22+$0x1A720] =	vst v0;
	v0 =	vld [tilespmem:s22+$0x18740]  }
0x6f: {  	v1 =	vld.idx.msk [tilespmem:v1+s6+$0x0], $0xffff;
	_ =	sdelay $0x5  }
0x70: {  	[tilespmem:s22+$0x1A730] =	vst v1;
	v1 =	vld [tilespmem:s22+$0x18750]  }
0x71: {  	v0 =	vld.idx.msk [tilespmem:v0+s6+$0x0], $0xffff;
	_ =	sdelay $0x5  }
0x72: {  	[tilespmem:s22+$0x1A740] =	vst v0;
	v0 =	vld [tilespmem:s22+$0x18760]  }
0x73: {  	v1 =	vld.idx.msk [tilespmem:v1+s6+$0x0], $0xffff;
	_ =	sdelay $0x5  }
0x74: {  	[tilespmem:s22+$0x1A750] =	vst v1;
	v1 =	vld [tilespmem:s22+$0x18770]  }
0x75: {  	v0 =	vld.idx.msk [tilespmem:v0+s6+$0x0], $0xffff;
	_ =	sdelay $0x5  }
0x76: {  	[tilespmem:s22+$0x1A760] =	vst v0;
	v0 =	vld [tilespmem:s22+$0x18780]  }
0x77: {  	v1 =	vld.idx.msk [tilespmem:v1+s6+$0x0], $0xffff;
	_ =	sdelay $0x5  }
0x78: {  	[tilespmem:s22+$0x1A770] =	vst v1;
	v1 =	vld [tilespmem:s22+$0x18790]  }
0x79: {  	v0 =	vld.idx.msk [tilespmem:v0+s6+$0x0], $0xffff;
	_ =	sdelay $0x5  }
0x7a: {  	[tilespmem:s22+$0x1A780] =	vst v0;
	v0 =	vld [tilespmem:s22+$0x187A0]  }
0x7b: {  	v1 =	vld.idx.msk [tilespmem:v1+s6+$0x0], $0xffff;
	_ =	sdelay $0x5  }
0x7c: {  	[tilespmem:s22+$0x1A790] =	vst v1;
	v1 =	vld [tilespmem:s22+$0x187B0]  }
0x7d: {  	v0 =	vld.idx.msk [tilespmem:v0+s6+$0x0], $0xffff;
	_ =	sdelay $0x5  }
0x7e: {  	[tilespmem:s22+$0x1A7A0] =	vst v0;
	v0 =	vld [tilespmem:s22+$0x187C0]  }
0x7f: {  	v1 =	vld.idx.msk [tilespmem:v1+s6+$0x0], $0xffff;
	_ =	sdelay $0x5  }
0x80: {  	[tilespmem:s22+$0x1A7B0] =	vst v1;
	v1 =	vld [tilespmem:s22+$0x187D0]  }
0x81: {  	v0 =	vld.idx.msk [tilespmem:v0+s6+$0x0], $0xffff;
	_ =	sdelay $0x5  }
0x82: {  	[tilespmem:s22+$0x1A7C0] =	vst v0;
	v0 =	vld [tilespmem:s22+$0x187E0]  }
0x83: {  	v1 =	vld.idx.msk [tilespmem:v1+s6+$0x0], $0xffff;
	_ =	sdelay $0x5  }
0x84: {  	[tilespmem:s22+$0x1A7D0] =	vst v1;
	v1 =	vld [tilespmem:s22+$0x187F0]  }
0x85: {  	v0 =	vld.idx.msk [tilespmem:v0+s6+$0x0], $0xffff;
	_ =	sdelay $0x5  }
0x86: {  	[tilespmem:s22+$0x1A7E0] =	vst v0;
	v0 =	vld [tilespmem:s22+$0x18800]  }
0x87: {  	v1 =	vld.idx.msk [tilespmem:v1+s6+$0x0], $0xffff;
	_ =	sdelay $0x5  }
0x88: {  	[tilespmem:s22+$0x1A7F0] =	vst v1;
	v1 =	vld [tilespmem:s22+$0x18810]  }
0x89: {  	v0 =	vld.idx.msk [tilespmem:v0+s6+$0x0], $0xffff;
	_ =	sdelay $0x5  }
0x8a: {  	[tilespmem:s22+$0x1A800] =	vst v0;
	v0 =	vld [tilespmem:s22+$0x18820]  }
0x8b: {  	v1 =	vld.idx.msk [tilespmem:v1+s6+$0x0], $0xffff;
	_ =	sdelay $0x5  }
0x8c: {  	[tilespmem:s22+$0x1A810] =	vst v1;
	v1 =	vld [tilespmem:s22+$0x18830]  }
0x8d: {  	v0 =	vld.idx.msk [tilespmem:v0+s6+$0x0], $0xffff;
	_ =	sdelay $0x5  }
0x8e: {  	[tilespmem:s22+$0x1A820] =	vst v0;
	v0 =	vld [tilespmem:s22+$0x18840]  }
0x8f: {  	v1 =	vld.idx.msk [tilespmem:v1+s6+$0x0], $0xffff;
	_ =	sdelay $0x5  }
0x90: {  	[tilespmem:s22+$0x1A830] =	vst v1;
	v1 =	vld [tilespmem:s22+$0x18850]  }
0x91: {  	v0 =	vld.idx.msk [tilespmem:v0+s6+$0x0], $0xffff;
	_ =	sdelay $0x5  }
0x92: {  	[tilespmem:s22+$0x1A840] =	vst v0;
	v0 =	vld [tilespmem:s22+$0x18860]  }
0x93: {  	v1 =	vld.idx.msk [tilespmem:v1+s6+$0x0], $0xffff;
	_ =	sdelay $0x5  }
0x94: {  	[tilespmem:s22+$0x1A850] =	vst v1;
	v1 =	vld [tilespmem:s22+$0x18870]  }
0x95: {  	v0 =	vld.idx.msk [tilespmem:v0+s6+$0x0], $0xffff;
	_ =	sdelay $0x5  }
0x96: {  	[tilespmem:s22+$0x1A860] =	vst v0;
	v0 =	vld [tilespmem:s22+$0x18880]  }
0x97: {  	v1 =	vld.idx.msk [tilespmem:v1+s6+$0x0], $0xffff;
	_ =	sdelay $0x5  }
0x98: {  	[tilespmem:s22+$0x1A870] =	vst v1;
	v1 =	vld [tilespmem:s22+$0x18890]  }
0x99: {  	v0 =	vld.idx.msk [tilespmem:v0+s6+$0x0], $0xffff;
	_ =	sdelay $0x5  }
0x9a: {  	[tilespmem:s22+$0x1A880] =	vst v0;
	v0 =	vld [tilespmem:s22+$0x188A0]  }
0x9b: {  	v1 =	vld.idx.msk [tilespmem:v1+s6+$0x0], $0xffff;
	_ =	sdelay $0x5  }
0x9c: {  	[tilespmem:s22+$0x1A890] =	vst v1;
	v1 =	vld [tilespmem:s22+$0x188B0]  }
0x9d: {  	v0 =	vld.idx.msk [tilespmem:v0+s6+$0x0], $0xffff;
	_ =	sdelay $0x5  }
0x9e: {  	[tilespmem:s22+$0x1A8A0] =	vst v0;
	v0 =	vld [tilespmem:s22+$0x188C0]  }
0x9f: {  	v1 =	vld.idx.msk [tilespmem:v1+s6+$0x0], $0xffff;
	_ =	sdelay $0x5  }
0xa0: {  	[tilespmem:s22+$0x1A8B0] =	vst v1;
	v1 =	vld [tilespmem:s22+$0x188D0]  }
0xa1: {  	v0 =	vld.idx.msk [tilespmem:v0+s6+$0x0], $0xffff;
	_ =	sdelay $0x5  }
0xa2: {  	[tilespmem:s22+$0x1A8C0] =	vst v0;
	v2 =	vld [tilespmem:s22+$0x188E0]  }
0xa3: {  	v0 =	vld.idx.msk [tilespmem:v1+s6+$0x0], $0xffff;
	_ =	sdelay $0x5  }
0xa4: {  	[tilespmem:s22+$0x1A8D0] =	vst v0;
	v0 =	vld [tilespmem:s22+$0x188F0]  }
0xa5: {  	v1 =	vld.idx.msk [tilespmem:v2+s6+$0x0], $0xffff  }
.Ltmp3:
0xa6: {  	(pc) =	sbr.rel @p2 .LBB2_4-.Ltmp3, $2  }
0xa7: {  	_ =	sdelay $0x2  }
0xa8: {  	s24 =	sshra.s32 s23, $0x2;
	s23 =	sadd.s32 $0x800, s23  }
0xa9: {  	_ =	sdelay $0x1  }
0xaa: {  	v2 =	vld [tilespmem:s24+$0x18700]  }
0xab: {  	[tilespmem:s22+$0x1A8E0] =	vst v1  }
0xac: {  	v0 =	vld.idx.msk [tilespmem:v0+s6+$0x0], $0xffff;
	_ =	sdelay $0x3  }
0xad: {  	v1 =	vld [tilespmem:s24+$0x18710]  }
0xae: {  	[tilespmem:s22+$0x1A8F0] =	vst v0  }
0xaf: {  	v0 =	vld.idx.msk [tilespmem:v2+s6+$0x0], $0xffff;
	_ =	sdelay $0x3  }
0xb0: {  	v34 =	vld [tilespmem:s24+$0x18720]  }
0xb1: {  	[tilespmem:s24+$0x1A700] =	vst v0  }
0xb2: {  	v1 =	vld.idx.msk [tilespmem:v1+s6+$0x0], $0xffff;
	_ =	sdelay $0x3  }
0xb3: {  	v35 =	vld [tilespmem:s24+$0x18730]  }
0xb4: {  	[tilespmem:s24+$0x1A710] =	vst v1  }
0xb5: {  	v0 =	vld.idx.msk [tilespmem:v34+s6+$0x0], $0xffff;
	_ =	sdelay $0x3  }
0xb6: {  	v36 =	vld [tilespmem:s24+$0x18740]  }
0xb7: {  	[tilespmem:s24+$0x1A720] =	vst v0  }
0xb8: {  	v1 =	vld.idx.msk [tilespmem:v35+s6+$0x0], $0xffff;
	_ =	sdelay $0x3  }
0xb9: {  	v37 =	vld [tilespmem:s24+$0x18750]  }
0xba: {  	[tilespmem:s24+$0x1A730] =	vst v1  }
0xbb: {  	v0 =	vld.idx.msk [tilespmem:v36+s6+$0x0], $0xffff;
	_ =	sdelay $0x3  }
0xbc: {  	v38 =	vld [tilespmem:s24+$0x18760]  }
0xbd: {  	[tilespmem:s24+$0x1A740] =	vst v0  }
0xbe: {  	v1 =	vld.idx.msk [tilespmem:v37+s6+$0x0], $0xffff;
	_ =	sdelay $0x3  }
0xbf: {  	v39 =	vld [tilespmem:s24+$0x18770]  }
0xc0: {  	[tilespmem:s24+$0x1A750] =	vst v1  }
0xc1: {  	v0 =	vld.idx.msk [tilespmem:v38+s6+$0x0], $0xffff;
	_ =	sdelay $0x3  }
0xc2: {  	v40 =	vld [tilespmem:s24+$0x18780]  }
0xc3: {  	[tilespmem:s24+$0x1A760] =	vst v0  }
0xc4: {  	v1 =	vld.idx.msk [tilespmem:v39+s6+$0x0], $0xffff;
	_ =	sdelay $0x3  }
0xc5: {  	v41 =	vld [tilespmem:s24+$0x18790]  }
0xc6: {  	[tilespmem:s24+$0x1A770] =	vst v1  }
0xc7: {  	v0 =	vld.idx.msk [tilespmem:v40+s6+$0x0], $0xffff;
	_ =	sdelay $0x3  }
0xc8: {  	v42 =	vld [tilespmem:s24+$0x187A0]  }
0xc9: {  	[tilespmem:s24+$0x1A780] =	vst v0  }
0xca: {  	v1 =	vld.idx.msk [tilespmem:v41+s6+$0x0], $0xffff;
	_ =	sdelay $0x3  }
0xcb: {  	v43 =	vld [tilespmem:s24+$0x187B0]  }
0xcc: {  	[tilespmem:s24+$0x1A790] =	vst v1  }
0xcd: {  	v0 =	vld.idx.msk [tilespmem:v42+s6+$0x0], $0xffff;
	_ =	sdelay $0x3  }
0xce: {  	v44 =	vld [tilespmem:s24+$0x187C0]  }
0xcf: {  	[tilespmem:s24+$0x1A7A0] =	vst v0  }
0xd0: {  	v1 =	vld.idx.msk [tilespmem:v43+s6+$0x0], $0xffff;
	_ =	sdelay $0x3  }
0xd1: {  	v45 =	vld [tilespmem:s24+$0x187D0]  }
0xd2: {  	[tilespmem:s24+$0x1A7B0] =	vst v1  }
0xd3: {  	v0 =	vld.idx.msk [tilespmem:v44+s6+$0x0], $0xffff;
	_ =	sdelay $0x3  }
0xd4: {  	v46 =	vld [tilespmem:s24+$0x187E0]  }
0xd5: {  	[tilespmem:s24+$0x1A7C0] =	vst v0  }
0xd6: {  	v1 =	vld.idx.msk [tilespmem:v45+s6+$0x0], $0xffff;
	_ =	sdelay $0x3  }
0xd7: {  	v47 =	vld [tilespmem:s24+$0x187F0]  }
0xd8: {  	[tilespmem:s24+$0x1A7D0] =	vst v1  }
0xd9: {  	v0 =	vld.idx.msk [tilespmem:v46+s6+$0x0], $0xffff;
	_ =	sdelay $0x3  }
0xda: {  	v48 =	vld [tilespmem:s24+$0x18800]  }
0xdb: {  	[tilespmem:s24+$0x1A7E0] =	vst v0  }
0xdc: {  	v1 =	vld.idx.msk [tilespmem:v47+s6+$0x0], $0xffff;
	_ =	sdelay $0x3  }
0xdd: {  	v49 =	vld [tilespmem:s24+$0x18810]  }
0xde: {  	[tilespmem:s24+$0x1A7F0] =	vst v1  }
0xdf: {  	v0 =	vld.idx.msk [tilespmem:v48+s6+$0x0], $0xffff;
	_ =	sdelay $0x3  }
0xe0: {  	v50 =	vld [tilespmem:s24+$0x18820]  }
0xe1: {  	[tilespmem:s24+$0x1A800] =	vst v0  }
0xe2: {  	v1 =	vld.idx.msk [tilespmem:v49+s6+$0x0], $0xffff;
	_ =	sdelay $0x3  }
0xe3: {  	v51 =	vld [tilespmem:s24+$0x18830]  }
0xe4: {  	[tilespmem:s24+$0x1A810] =	vst v1  }
0xe5: {  	v0 =	vld.idx.msk [tilespmem:v50+s6+$0x0], $0xffff;
	_ =	sdelay $0x3  }
0xe6: {  	v52 =	vld [tilespmem:s24+$0x18840]  }
0xe7: {  	[tilespmem:s24+$0x1A820] =	vst v0  }
0xe8: {  	v1 =	vld.idx.msk [tilespmem:v51+s6+$0x0], $0xffff;
	_ =	sdelay $0x3  }
0xe9: {  	v53 =	vld [tilespmem:s24+$0x18850]  }
0xea: {  	[tilespmem:s24+$0x1A830] =	vst v1  }
0xeb: {  	v0 =	vld.idx.msk [tilespmem:v52+s6+$0x0], $0xffff;
	_ =	sdelay $0x3  }
0xec: {  	v54 =	vld [tilespmem:s24+$0x18860]  }
0xed: {  	[tilespmem:s24+$0x1A840] =	vst v0  }
0xee: {  	v1 =	vld.idx.msk [tilespmem:v53+s6+$0x0], $0xffff;
	_ =	sdelay $0x3  }
0xef: {  	v55 =	vld [tilespmem:s24+$0x18870]  }
0xf0: {  	[tilespmem:s24+$0x1A850] =	vst v1  }
0xf1: {  	v0 =	vld.idx.msk [tilespmem:v54+s6+$0x0], $0xffff;
	_ =	sdelay $0x3  }
0xf2: {  	v56 =	vld [tilespmem:s24+$0x18880]  }
0xf3: {  	[tilespmem:s24+$0x1A860] =	vst v0  }
0xf4: {  	v1 =	vld.idx.msk [tilespmem:v55+s6+$0x0], $0xffff;
	_ =	sdelay $0x3  }
0xf5: {  	v57 =	vld [tilespmem:s24+$0x18890]  }
0xf6: {  	[tilespmem:s24+$0x1A870] =	vst v1  }
0xf7: {  	v0 =	vld.idx.msk [tilespmem:v56+s6+$0x0], $0xffff;
	_ =	sdelay $0x3  }
0xf8: {  	v58 =	vld [tilespmem:s24+$0x188A0]  }
0xf9: {  	[tilespmem:s24+$0x1A880] =	vst v0  }
0xfa: {  	v1 =	vld.idx.msk [tilespmem:v57+s6+$0x0], $0xffff;
	_ =	sdelay $0x3  }
0xfb: {  	v59 =	vld [tilespmem:s24+$0x188B0]  }
0xfc: {  	[tilespmem:s24+$0x1A890] =	vst v1  }
0xfd: {  	v0 =	vld.idx.msk [tilespmem:v58+s6+$0x0], $0xffff;
	_ =	sdelay $0x3  }
0xfe: {  	v60 =	vld [tilespmem:s24+$0x188C0]  }
0xff: {  	[tilespmem:s24+$0x1A8A0] =	vst v0  }
0x100: {  	v1 =	vld.idx.msk [tilespmem:v59+s6+$0x0], $0xffff;
	_ =	sdelay $0x3  }
0x101: {  	v61 =	vld [tilespmem:s24+$0x188D0]  }
0x102: {  	[tilespmem:s24+$0x1A8B0] =	vst v1  }
0x103: {  	v0 =	vld.idx.msk [tilespmem:v60+s6+$0x0], $0xffff;
	_ =	sdelay $0x3  }
0x104: {  	v62 =	vld [tilespmem:s24+$0x188E0]  }
0x105: {  	[tilespmem:s24+$0x1A8C0] =	vst v0  }
0x106: {  	v1 =	vld.idx.msk [tilespmem:v61+s6+$0x0], $0xffff;
	_ =	sdelay $0x3  }
0x107: {  	v63 =	vld [tilespmem:s24+$0x188F0]  }
0x108: {  	[tilespmem:s24+$0x1A8D0] =	vst v1  }
0x109: {  	v0 =	vld.idx.msk [tilespmem:v62+s6+$0x0], $0xffff;
	_ =	sdelay $0x4  }
0x10a: {  	[tilespmem:s24+$0x1A8E0] =	vst v0  }
0x10b: {  	v0 =	vld.idx.msk [tilespmem:v63+s6+$0x0], $0xffff;
	_ =	sdelay $0x2  }
0x10c: {  	s20 =	sor.u32 s21, s20  }
0x10d: {  	s20 =	sshrl.u32 s20, $0x3  }
.Ltmp4:
0x10e: {  	s20 =	sadd.s32 s7, s20;
	[tilespmem:s24+$0x1A8F0] =	vst v0;
	(pc) =	sbr.rel @p1 .LBB2_3-.Ltmp4, $4  }
0x10f: {  	[hbm4b:s20+s12] =	stream.strided.scatter [tilespmem:s16], [sflag:$0x1], $0x2000, s13, s12, $0x38;
	[tilespmem:$0x1C700] =	vst v63  }
0x110: {  	_ =	swait.ge [sflag:s14], $0x2000  }
0x111: {  	[sflag:s14] =	ssyncset.done $0x0  }
0x112: {  	p2 =	por $0x0, $0x0;
	s20 =	simm.s32 $0x10000;
	[sflag:s14] =	ssyncadd.s32 $0xFFFFE000  }
0x113: {  	s18 =	sadd.s32 $0x1, s18  }
0x114: {  	p1 =	seq.s32 s18, $0xD  }
.Ltmp5:
0x115: {  	_ = 	snop;
	(pc) =	sbr.rel @!p1 .LBB2_2-.Ltmp5, $4  }
.Ltmp6:
0x116: {  	_ = 	snop;
	(pc) =	sbr.rel @p1 .LBB2_12-.Ltmp6, $4  }
0x117: {  	_ = 	snop  }
0x118: {  	_ = 	snop  }
0x119: {  	_ = 	snop  }
0x11a: {  	_ = 	snop  }
.LBB2_7:
0x11b: {  	s18 =	smul.u32 $0x187000, s19;
	_ =	sdelay $0x1  }
0x11c: {  	s18 =	sadd.s32 s9, s18  }
0x11d: {  	s20 =	simm.s32 $0x0;
	s18 =	sshrl.u32 s18, $0x3  }
0x11e: {  	s30 =	sshll.u32 s19, $0x7;
	s21 =	sshll.u32 s19, $0xE;
	s18 =	sadd.s32 s2, s18  }
0x11f: {  	[tilespmem:s20], [sflag:$0x1] =	stream.strided.gather [hbm4b:s18+s12], $0x18700, s13, s12, $0x38;
	[tilespmem:$0x1C700] =	vst v63  }
0x120: {  	s31 =	sshll.u32 s19, $0x12;
	p2 =	por $0x1, $0x1;
	_ =	swait.ge [sflag:s14], $0x18700  }
0x121: {  	s21 =	sand.u32 $0x20000, s21;
	s18 =	sand.u32 $0x380, s30;
	[sflag:s14] =	ssyncset.done $0x0  }
0x122: {  	s18 =	sor.u32 s18, s21;
	s21 =	sor.u32 s11, s31;
	[sflag:s14] =	ssyncadd.s32 $0xFFFE7900  }
.LBB2_8:
0x123: {  	s22 =	sor.u32 s20, s18  }
0x124: {  	s22 =	sshrl.u32 s22, $0x3  }
0x125: {  	s22 =	sadd.s32 s4, s22  }
0x126: {  	[tilespmem:s15], [sflag:$0x1] =	stream.strided.gather [hbm4b:s22+s12], $0x2000, s13, s12, $0x38;
	[tilespmem:$0x1C700] =	vst v63  }
0x127: {  	_ =	swait.ge [sflag:s14], $0x2000  }
0x128: {  	[sflag:s14] =	ssyncset.done $0x0  }
0x129: {  	s22 =	simm.s32 $0x0;
	[sflag:s14] =	ssyncadd.s32 $0xFFFFE000  }
0x12a: {  	v0 =	vld [tilespmem:s22+$0x18700];
	_ =	sdelay $0x5  }
0x12b: {  	v1 =	vld [tilespmem:s22+$0x18710];
	_ =	sdelay $0x1  }
0x12c: {  	v0 =	vld.idx.msk [tilespmem:v0+s6+$0x0], $0xffff;
	_ =	sdelay $0x4  }
0x12d: {  	[tilespmem:s22+$0x1A700] =	vst v0;
	v0 =	vld [tilespmem:s22+$0x18720]  }
0x12e: {  	v1 =	vld.idx.msk [tilespmem:v1+s6+$0x0], $0xffff;
	_ =	sdelay $0x4  }
0x12f: {  	[tilespmem:s22+$0x1A710] =	vst v1;
	v1 =	vld [tilespmem:s22+$0x18730];
	_ =	sdelay $0x1  }
0x130: {  	v0 =	vld.idx.msk [tilespmem:v0+s6+$0x0], $0xffff;
	_ =	sdelay $0x4  }
0x131: {  	[tilespmem:s22+$0x1A720] =	vst v0;
	v0 =	vld [tilespmem:s22+$0x18740]  }
0x132: {  	v1 =	vld.idx.msk [tilespmem:v1+s6+$0x0], $0xffff;
	_ =	sdelay $0x4  }
0x133: {  	[tilespmem:s22+$0x1A730] =	vst v1;
	v1 =	vld [tilespmem:s22+$0x18750];
	_ =	sdelay $0x1  }
0x134: {  	v0 =	vld.idx.msk [tilespmem:v0+s6+$0x0], $0xffff;
	_ =	sdelay $0x4  }
0x135: {  	[tilespmem:s22+$0x1A740] =	vst v0;
	v0 =	vld [tilespmem:s22+$0x18760]  }
0x136: {  	v1 =	vld.idx.msk [tilespmem:v1+s6+$0x0], $0xffff;
	_ =	sdelay $0x4  }
0x137: {  	[tilespmem:s22+$0x1A750] =	vst v1;
	v1 =	vld [tilespmem:s22+$0x18770];
	_ =	sdelay $0x1  }
0x138: {  	v0 =	vld.idx.msk [tilespmem:v0+s6+$0x0], $0xffff;
	_ =	sdelay $0x4  }
0x139: {  	[tilespmem:s22+$0x1A760] =	vst v0;
	v0 =	vld [tilespmem:s22+$0x18780]  }
0x13a: {  	v1 =	vld.idx.msk [tilespmem:v1+s6+$0x0], $0xffff;
	_ =	sdelay $0x4  }
0x13b: {  	[tilespmem:s22+$0x1A770] =	vst v1;
	v1 =	vld [tilespmem:s22+$0x18790];
	_ =	sdelay $0x1  }
0x13c: {  	v0 =	vld.idx.msk [tilespmem:v0+s6+$0x0], $0xffff;
	_ =	sdelay $0x4  }
0x13d: {  	[tilespmem:s22+$0x1A780] =	vst v0;
	v0 =	vld [tilespmem:s22+$0x187A0]  }
0x13e: {  	v1 =	vld.idx.msk [tilespmem:v1+s6+$0x0], $0xffff;
	_ =	sdelay $0x4  }
0x13f: {  	[tilespmem:s22+$0x1A790] =	vst v1;
	v1 =	vld [tilespmem:s22+$0x187B0];
	_ =	sdelay $0x1  }
0x140: {  	v0 =	vld.idx.msk [tilespmem:v0+s6+$0x0], $0xffff;
	_ =	sdelay $0x4  }
0x141: {  	[tilespmem:s22+$0x1A7A0] =	vst v0;
	v0 =	vld [tilespmem:s22+$0x187C0]  }
0x142: {  	v1 =	vld.idx.msk [tilespmem:v1+s6+$0x0], $0xffff;
	_ =	sdelay $0x4  }
0x143: {  	[tilespmem:s22+$0x1A7B0] =	vst v1;
	v1 =	vld [tilespmem:s22+$0x187D0];
	_ =	sdelay $0x1  }
0x144: {  	v0 =	vld.idx.msk [tilespmem:v0+s6+$0x0], $0xffff;
	_ =	sdelay $0x4  }
0x145: {  	[tilespmem:s22+$0x1A7C0] =	vst v0;
	v0 =	vld [tilespmem:s22+$0x187E0]  }
0x146: {  	v1 =	vld.idx.msk [tilespmem:v1+s6+$0x0], $0xffff;
	_ =	sdelay $0x4  }
0x147: {  	[tilespmem:s22+$0x1A7D0] =	vst v1;
	v1 =	vld [tilespmem:s22+$0x187F0];
	_ =	sdelay $0x1  }
0x148: {  	v0 =	vld.idx.msk [tilespmem:v0+s6+$0x0], $0xffff;
	_ =	sdelay $0x4  }
0x149: {  	[tilespmem:s22+$0x1A7E0] =	vst v0;
	v0 =	vld [tilespmem:s22+$0x18800]  }
0x14a: {  	v1 =	vld.idx.msk [tilespmem:v1+s6+$0x0], $0xffff;
	_ =	sdelay $0x4  }
0x14b: {  	[tilespmem:s22+$0x1A7F0] =	vst v1;
	v1 =	vld [tilespmem:s22+$0x18810];
	_ =	sdelay $0x1  }
0x14c: {  	v0 =	vld.idx.msk [tilespmem:v0+s6+$0x0], $0xffff;
	_ =	sdelay $0x4  }
0x14d: {  	[tilespmem:s22+$0x1A800] =	vst v0;
	v0 =	vld [tilespmem:s22+$0x18820]  }
0x14e: {  	v1 =	vld.idx.msk [tilespmem:v1+s6+$0x0], $0xffff;
	_ =	sdelay $0x4  }
0x14f: {  	[tilespmem:s22+$0x1A810] =	vst v1;
	v1 =	vld [tilespmem:s22+$0x18830];
	_ =	sdelay $0x1  }
0x150: {  	v0 =	vld.idx.msk [tilespmem:v0+s6+$0x0], $0xffff;
	_ =	sdelay $0x4  }
0x151: {  	[tilespmem:s22+$0x1A820] =	vst v0;
	v0 =	vld [tilespmem:s22+$0x18840]  }
0x152: {  	v1 =	vld.idx.msk [tilespmem:v1+s6+$0x0], $0xffff;
	_ =	sdelay $0x4  }
0x153: {  	[tilespmem:s22+$0x1A830] =	vst v1;
	v1 =	vld [tilespmem:s22+$0x18850];
	_ =	sdelay $0x1  }
0x154: {  	v0 =	vld.idx.msk [tilespmem:v0+s6+$0x0], $0xffff;
	_ =	sdelay $0x4  }
0x155: {  	[tilespmem:s22+$0x1A840] =	vst v0;
	v0 =	vld [tilespmem:s22+$0x18860]  }
0x156: {  	v1 =	vld.idx.msk [tilespmem:v1+s6+$0x0], $0xffff;
	_ =	sdelay $0x4  }
0x157: {  	[tilespmem:s22+$0x1A850] =	vst v1;
	v1 =	vld [tilespmem:s22+$0x18870];
	_ =	sdelay $0x1  }
0x158: {  	v0 =	vld.idx.msk [tilespmem:v0+s6+$0x0], $0xffff;
	_ =	sdelay $0x4  }
0x159: {  	[tilespmem:s22+$0x1A860] =	vst v0;
	v0 =	vld [tilespmem:s22+$0x18880]  }
0x15a: {  	v1 =	vld.idx.msk [tilespmem:v1+s6+$0x0], $0xffff;
	_ =	sdelay $0x4  }
0x15b: {  	[tilespmem:s22+$0x1A870] =	vst v1;
	v1 =	vld [tilespmem:s22+$0x18890];
	_ =	sdelay $0x1  }
0x15c: {  	v0 =	vld.idx.msk [tilespmem:v0+s6+$0x0], $0xffff;
	_ =	sdelay $0x4  }
0x15d: {  	[tilespmem:s22+$0x1A880] =	vst v0;
	v0 =	vld [tilespmem:s22+$0x188A0]  }
0x15e: {  	v1 =	vld.idx.msk [tilespmem:v1+s6+$0x0], $0xffff;
	_ =	sdelay $0x4  }
0x15f: {  	[tilespmem:s22+$0x1A890] =	vst v1;
	v1 =	vld [tilespmem:s22+$0x188B0];
	_ =	sdelay $0x1  }
0x160: {  	v0 =	vld.idx.msk [tilespmem:v0+s6+$0x0], $0xffff;
	_ =	sdelay $0x4  }
0x161: {  	[tilespmem:s22+$0x1A8A0] =	vst v0;
	v0 =	vld [tilespmem:s22+$0x188C0]  }
0x162: {  	v1 =	vld.idx.msk [tilespmem:v1+s6+$0x0], $0xffff;
	_ =	sdelay $0x4  }
0x163: {  	[tilespmem:s22+$0x1A8B0] =	vst v1;
	v1 =	vld [tilespmem:s22+$0x188D0];
	_ =	sdelay $0x1  }
0x164: {  	v0 =	vld.idx.msk [tilespmem:v0+s6+$0x0], $0xffff;
	_ =	sdelay $0x4  }
0x165: {  	v2 =	vld [tilespmem:s22+$0x188E0];
	[tilespmem:s22+$0x1A8C0] =	vst v0  }
0x166: {  	v0 =	vld.idx.msk [tilespmem:v1+s6+$0x0], $0xffff;
	_ =	sdelay $0x4  }
0x167: {  	[tilespmem:s22+$0x1A8D0] =	vst v0;
	v0 =	vld [tilespmem:s22+$0x188F0];
	_ =	sdelay $0x1  }
0x168: {  	v1 =	vld.idx.msk [tilespmem:v2+s6+$0x0], $0xffff;
	_ =	sdelay $0x3  }
0x169: {  	p1 =	por p2, p2;
	s24 =	simm.s32 $0x200;
	s23 =	simm.s32 $0x1000  }
.LBB2_9:
0x16a: {  	p2 =	sne.s32 s23, $0x7800;
	v2 =	vld [tilespmem:s24+$0x18700];
	[tilespmem:s22+$0x1A8E0] =	vst v1  }
0x16b: {  	v0 =	vld.idx.msk [tilespmem:v0+s6+$0x0], $0xffff;
	_ =	sdelay $0x5  }
0x16c: {  	v1 =	vld [tilespmem:s24+$0x18710];
	[tilespmem:s22+$0x1A8F0] =	vst v0;
	s22 =	smov.u32 s24  }
0x16d: {  	v0 =	vld.idx.msk [tilespmem:v2+s6+$0x0], $0xffff;
	_ =	sdelay $0x5  }
0x16e: {  	[tilespmem:s22+$0x1A700] =	vst v0;
	v0 =	vld [tilespmem:s22+$0x18720]  }
0x16f: {  	v1 =	vld.idx.msk [tilespmem:v1+s6+$0x0], $0xffff;
	_ =	sdelay $0x5  }
0x170: {  	[tilespmem:s22+$0x1A710] =	vst v1;
	v1 =	vld [tilespmem:s22+$0x18730]  }
0x171: {  	v0 =	vld.idx.msk [tilespmem:v0+s6+$0x0], $0xffff;
	_ =	sdelay $0x5  }
0x172: {  	[tilespmem:s22+$0x1A720] =	vst v0;
	v0 =	vld [tilespmem:s22+$0x18740]  }
0x173: {  	v1 =	vld.idx.msk [tilespmem:v1+s6+$0x0], $0xffff;
	_ =	sdelay $0x5  }
0x174: {  	[tilespmem:s22+$0x1A730] =	vst v1;
	v1 =	vld [tilespmem:s22+$0x18750]  }
0x175: {  	v0 =	vld.idx.msk [tilespmem:v0+s6+$0x0], $0xffff;
	_ =	sdelay $0x5  }
0x176: {  	[tilespmem:s22+$0x1A740] =	vst v0;
	v0 =	vld [tilespmem:s22+$0x18760]  }
0x177: {  	v1 =	vld.idx.msk [tilespmem:v1+s6+$0x0], $0xffff;
	_ =	sdelay $0x5  }
0x178: {  	[tilespmem:s22+$0x1A750] =	vst v1;
	v1 =	vld [tilespmem:s22+$0x18770]  }
0x179: {  	v0 =	vld.idx.msk [tilespmem:v0+s6+$0x0], $0xffff;
	_ =	sdelay $0x5  }
0x17a: {  	[tilespmem:s22+$0x1A760] =	vst v0;
	v0 =	vld [tilespmem:s22+$0x18780]  }
0x17b: {  	v1 =	vld.idx.msk [tilespmem:v1+s6+$0x0], $0xffff;
	_ =	sdelay $0x5  }
0x17c: {  	[tilespmem:s22+$0x1A770] =	vst v1;
	v1 =	vld [tilespmem:s22+$0x18790]  }
0x17d: {  	v0 =	vld.idx.msk [tilespmem:v0+s6+$0x0], $0xffff;
	_ =	sdelay $0x5  }
0x17e: {  	[tilespmem:s22+$0x1A780] =	vst v0;
	v0 =	vld [tilespmem:s22+$0x187A0]  }
0x17f: {  	v1 =	vld.idx.msk [tilespmem:v1+s6+$0x0], $0xffff;
	_ =	sdelay $0x5  }
0x180: {  	[tilespmem:s22+$0x1A790] =	vst v1;
	v1 =	vld [tilespmem:s22+$0x187B0]  }
0x181: {  	v0 =	vld.idx.msk [tilespmem:v0+s6+$0x0], $0xffff;
	_ =	sdelay $0x5  }
0x182: {  	[tilespmem:s22+$0x1A7A0] =	vst v0;
	v0 =	vld [tilespmem:s22+$0x187C0]  }
0x183: {  	v1 =	vld.idx.msk [tilespmem:v1+s6+$0x0], $0xffff;
	_ =	sdelay $0x5  }
0x184: {  	[tilespmem:s22+$0x1A7B0] =	vst v1;
	v1 =	vld [tilespmem:s22+$0x187D0]  }
0x185: {  	v0 =	vld.idx.msk [tilespmem:v0+s6+$0x0], $0xffff;
	_ =	sdelay $0x5  }
0x186: {  	[tilespmem:s22+$0x1A7C0] =	vst v0;
	v0 =	vld [tilespmem:s22+$0x187E0]  }
0x187: {  	v1 =	vld.idx.msk [tilespmem:v1+s6+$0x0], $0xffff;
	_ =	sdelay $0x5  }
0x188: {  	[tilespmem:s22+$0x1A7D0] =	vst v1;
	v1 =	vld [tilespmem:s22+$0x187F0]  }
0x189: {  	v0 =	vld.idx.msk [tilespmem:v0+s6+$0x0], $0xffff;
	_ =	sdelay $0x5  }
0x18a: {  	[tilespmem:s22+$0x1A7E0] =	vst v0;
	v0 =	vld [tilespmem:s22+$0x18800]  }
0x18b: {  	v1 =	vld.idx.msk [tilespmem:v1+s6+$0x0], $0xffff;
	_ =	sdelay $0x5  }
0x18c: {  	[tilespmem:s22+$0x1A7F0] =	vst v1;
	v1 =	vld [tilespmem:s22+$0x18810]  }
0x18d: {  	v0 =	vld.idx.msk [tilespmem:v0+s6+$0x0], $0xffff;
	_ =	sdelay $0x5  }
0x18e: {  	[tilespmem:s22+$0x1A800] =	vst v0;
	v0 =	vld [tilespmem:s22+$0x18820]  }
0x18f: {  	v1 =	vld.idx.msk [tilespmem:v1+s6+$0x0], $0xffff;
	_ =	sdelay $0x5  }
0x190: {  	[tilespmem:s22+$0x1A810] =	vst v1;
	v1 =	vld [tilespmem:s22+$0x18830]  }
0x191: {  	v0 =	vld.idx.msk [tilespmem:v0+s6+$0x0], $0xffff;
	_ =	sdelay $0x5  }
0x192: {  	[tilespmem:s22+$0x1A820] =	vst v0;
	v0 =	vld [tilespmem:s22+$0x18840]  }
0x193: {  	v1 =	vld.idx.msk [tilespmem:v1+s6+$0x0], $0xffff;
	_ =	sdelay $0x5  }
0x194: {  	[tilespmem:s22+$0x1A830] =	vst v1;
	v1 =	vld [tilespmem:s22+$0x18850]  }
0x195: {  	v0 =	vld.idx.msk [tilespmem:v0+s6+$0x0], $0xffff;
	_ =	sdelay $0x5  }
0x196: {  	[tilespmem:s22+$0x1A840] =	vst v0;
	v0 =	vld [tilespmem:s22+$0x18860]  }
0x197: {  	v1 =	vld.idx.msk [tilespmem:v1+s6+$0x0], $0xffff;
	_ =	sdelay $0x5  }
0x198: {  	[tilespmem:s22+$0x1A850] =	vst v1;
	v1 =	vld [tilespmem:s22+$0x18870]  }
0x199: {  	v0 =	vld.idx.msk [tilespmem:v0+s6+$0x0], $0xffff;
	_ =	sdelay $0x5  }
0x19a: {  	[tilespmem:s22+$0x1A860] =	vst v0;
	v0 =	vld [tilespmem:s22+$0x18880]  }
0x19b: {  	v1 =	vld.idx.msk [tilespmem:v1+s6+$0x0], $0xffff;
	_ =	sdelay $0x5  }
0x19c: {  	[tilespmem:s22+$0x1A870] =	vst v1;
	v1 =	vld [tilespmem:s22+$0x18890]  }
0x19d: {  	v0 =	vld.idx.msk [tilespmem:v0+s6+$0x0], $0xffff;
	_ =	sdelay $0x5  }
0x19e: {  	[tilespmem:s22+$0x1A880] =	vst v0;
	v0 =	vld [tilespmem:s22+$0x188A0]  }
0x19f: {  	v1 =	vld.idx.msk [tilespmem:v1+s6+$0x0], $0xffff;
	_ =	sdelay $0x5  }
0x1a0: {  	[tilespmem:s22+$0x1A890] =	vst v1;
	v1 =	vld [tilespmem:s22+$0x188B0]  }
0x1a1: {  	v0 =	vld.idx.msk [tilespmem:v0+s6+$0x0], $0xffff;
	_ =	sdelay $0x5  }
0x1a2: {  	[tilespmem:s22+$0x1A8A0] =	vst v0;
	v0 =	vld [tilespmem:s22+$0x188C0]  }
0x1a3: {  	v1 =	vld.idx.msk [tilespmem:v1+s6+$0x0], $0xffff;
	_ =	sdelay $0x5  }
0x1a4: {  	[tilespmem:s22+$0x1A8B0] =	vst v1;
	v1 =	vld [tilespmem:s22+$0x188D0]  }
0x1a5: {  	v0 =	vld.idx.msk [tilespmem:v0+s6+$0x0], $0xffff;
	_ =	sdelay $0x5  }
0x1a6: {  	[tilespmem:s22+$0x1A8C0] =	vst v0;
	v2 =	vld [tilespmem:s22+$0x188E0]  }
0x1a7: {  	v0 =	vld.idx.msk [tilespmem:v1+s6+$0x0], $0xffff;
	_ =	sdelay $0x5  }
0x1a8: {  	[tilespmem:s22+$0x1A8D0] =	vst v0;
	v0 =	vld [tilespmem:s22+$0x188F0]  }
0x1a9: {  	v1 =	vld.idx.msk [tilespmem:v2+s6+$0x0], $0xffff  }
.Ltmp7:
0x1aa: {  	(pc) =	sbr.rel @p2 .LBB2_9-.Ltmp7, $2  }
0x1ab: {  	_ =	sdelay $0x2  }
0x1ac: {  	s24 =	sshra.s32 s23, $0x2;
	s23 =	sadd.s32 $0x800, s23  }
0x1ad: {  	_ =	sdelay $0x1  }
0x1ae: {  	v2 =	vld [tilespmem:s24+$0x18700]  }
0x1af: {  	[tilespmem:s22+$0x1A8E0] =	vst v1  }
0x1b0: {  	v0 =	vld.idx.msk [tilespmem:v0+s6+$0x0], $0xffff;
	_ =	sdelay $0x3  }
0x1b1: {  	v1 =	vld [tilespmem:s24+$0x18710]  }
0x1b2: {  	[tilespmem:s22+$0x1A8F0] =	vst v0  }
0x1b3: {  	v0 =	vld.idx.msk [tilespmem:v2+s6+$0x0], $0xffff;
	_ =	sdelay $0x3  }
0x1b4: {  	v34 =	vld [tilespmem:s24+$0x18720]  }
0x1b5: {  	[tilespmem:s24+$0x1A700] =	vst v0  }
0x1b6: {  	v1 =	vld.idx.msk [tilespmem:v1+s6+$0x0], $0xffff;
	_ =	sdelay $0x3  }
0x1b7: {  	v35 =	vld [tilespmem:s24+$0x18730]  }
0x1b8: {  	[tilespmem:s24+$0x1A710] =	vst v1  }
0x1b9: {  	v0 =	vld.idx.msk [tilespmem:v34+s6+$0x0], $0xffff;
	_ =	sdelay $0x3  }
0x1ba: {  	v36 =	vld [tilespmem:s24+$0x18740]  }
0x1bb: {  	[tilespmem:s24+$0x1A720] =	vst v0  }
0x1bc: {  	v1 =	vld.idx.msk [tilespmem:v35+s6+$0x0], $0xffff;
	_ =	sdelay $0x3  }
0x1bd: {  	v37 =	vld [tilespmem:s24+$0x18750]  }
0x1be: {  	[tilespmem:s24+$0x1A730] =	vst v1  }
0x1bf: {  	v0 =	vld.idx.msk [tilespmem:v36+s6+$0x0], $0xffff;
	_ =	sdelay $0x3  }
0x1c0: {  	v38 =	vld [tilespmem:s24+$0x18760]  }
0x1c1: {  	[tilespmem:s24+$0x1A740] =	vst v0  }
0x1c2: {  	v1 =	vld.idx.msk [tilespmem:v37+s6+$0x0], $0xffff;
	_ =	sdelay $0x3  }
0x1c3: {  	v39 =	vld [tilespmem:s24+$0x18770]  }
0x1c4: {  	[tilespmem:s24+$0x1A750] =	vst v1  }
0x1c5: {  	v0 =	vld.idx.msk [tilespmem:v38+s6+$0x0], $0xffff;
	_ =	sdelay $0x3  }
0x1c6: {  	v40 =	vld [tilespmem:s24+$0x18780]  }
0x1c7: {  	[tilespmem:s24+$0x1A760] =	vst v0  }
0x1c8: {  	v1 =	vld.idx.msk [tilespmem:v39+s6+$0x0], $0xffff;
	_ =	sdelay $0x3  }
0x1c9: {  	v41 =	vld [tilespmem:s24+$0x18790]  }
0x1ca: {  	[tilespmem:s24+$0x1A770] =	vst v1  }
0x1cb: {  	v0 =	vld.idx.msk [tilespmem:v40+s6+$0x0], $0xffff;
	_ =	sdelay $0x3  }
0x1cc: {  	v42 =	vld [tilespmem:s24+$0x187A0]  }
0x1cd: {  	[tilespmem:s24+$0x1A780] =	vst v0  }
0x1ce: {  	v1 =	vld.idx.msk [tilespmem:v41+s6+$0x0], $0xffff;
	_ =	sdelay $0x3  }
0x1cf: {  	v43 =	vld [tilespmem:s24+$0x187B0]  }
0x1d0: {  	[tilespmem:s24+$0x1A790] =	vst v1  }
0x1d1: {  	v0 =	vld.idx.msk [tilespmem:v42+s6+$0x0], $0xffff;
	_ =	sdelay $0x3  }
0x1d2: {  	v44 =	vld [tilespmem:s24+$0x187C0]  }
0x1d3: {  	[tilespmem:s24+$0x1A7A0] =	vst v0  }
0x1d4: {  	v1 =	vld.idx.msk [tilespmem:v43+s6+$0x0], $0xffff;
	_ =	sdelay $0x3  }
0x1d5: {  	v45 =	vld [tilespmem:s24+$0x187D0]  }
0x1d6: {  	[tilespmem:s24+$0x1A7B0] =	vst v1  }
0x1d7: {  	v0 =	vld.idx.msk [tilespmem:v44+s6+$0x0], $0xffff;
	_ =	sdelay $0x3  }
0x1d8: {  	v46 =	vld [tilespmem:s24+$0x187E0]  }
0x1d9: {  	[tilespmem:s24+$0x1A7C0] =	vst v0  }
0x1da: {  	v1 =	vld.idx.msk [tilespmem:v45+s6+$0x0], $0xffff;
	_ =	sdelay $0x3  }
0x1db: {  	v47 =	vld [tilespmem:s24+$0x187F0]  }
0x1dc: {  	[tilespmem:s24+$0x1A7D0] =	vst v1  }
0x1dd: {  	v0 =	vld.idx.msk [tilespmem:v46+s6+$0x0], $0xffff;
	_ =	sdelay $0x3  }
0x1de: {  	v48 =	vld [tilespmem:s24+$0x18800]  }
0x1df: {  	[tilespmem:s24+$0x1A7E0] =	vst v0  }
0x1e0: {  	v1 =	vld.idx.msk [tilespmem:v47+s6+$0x0], $0xffff;
	_ =	sdelay $0x3  }
0x1e1: {  	v49 =	vld [tilespmem:s24+$0x18810]  }
0x1e2: {  	[tilespmem:s24+$0x1A7F0] =	vst v1  }
0x1e3: {  	v0 =	vld.idx.msk [tilespmem:v48+s6+$0x0], $0xffff;
	_ =	sdelay $0x3  }
0x1e4: {  	v50 =	vld [tilespmem:s24+$0x18820]  }
0x1e5: {  	[tilespmem:s24+$0x1A800] =	vst v0  }
0x1e6: {  	v1 =	vld.idx.msk [tilespmem:v49+s6+$0x0], $0xffff;
	_ =	sdelay $0x3  }
0x1e7: {  	v51 =	vld [tilespmem:s24+$0x18830]  }
0x1e8: {  	[tilespmem:s24+$0x1A810] =	vst v1  }
0x1e9: {  	v0 =	vld.idx.msk [tilespmem:v50+s6+$0x0], $0xffff;
	_ =	sdelay $0x3  }
0x1ea: {  	v52 =	vld [tilespmem:s24+$0x18840]  }
0x1eb: {  	[tilespmem:s24+$0x1A820] =	vst v0  }
0x1ec: {  	v1 =	vld.idx.msk [tilespmem:v51+s6+$0x0], $0xffff;
	_ =	sdelay $0x3  }
0x1ed: {  	v53 =	vld [tilespmem:s24+$0x18850]  }
0x1ee: {  	[tilespmem:s24+$0x1A830] =	vst v1  }
0x1ef: {  	v0 =	vld.idx.msk [tilespmem:v52+s6+$0x0], $0xffff;
	_ =	sdelay $0x3  }
0x1f0: {  	v54 =	vld [tilespmem:s24+$0x18860]  }
0x1f1: {  	[tilespmem:s24+$0x1A840] =	vst v0  }
0x1f2: {  	v1 =	vld.idx.msk [tilespmem:v53+s6+$0x0], $0xffff;
	_ =	sdelay $0x3  }
0x1f3: {  	v55 =	vld [tilespmem:s24+$0x18870]  }
0x1f4: {  	[tilespmem:s24+$0x1A850] =	vst v1  }
0x1f5: {  	v0 =	vld.idx.msk [tilespmem:v54+s6+$0x0], $0xffff;
	_ =	sdelay $0x3  }
0x1f6: {  	v56 =	vld [tilespmem:s24+$0x18880]  }
0x1f7: {  	[tilespmem:s24+$0x1A860] =	vst v0  }
0x1f8: {  	v1 =	vld.idx.msk [tilespmem:v55+s6+$0x0], $0xffff;
	_ =	sdelay $0x3  }
0x1f9: {  	v57 =	vld [tilespmem:s24+$0x18890]  }
0x1fa: {  	[tilespmem:s24+$0x1A870] =	vst v1  }
0x1fb: {  	v0 =	vld.idx.msk [tilespmem:v56+s6+$0x0], $0xffff;
	_ =	sdelay $0x3  }
0x1fc: {  	v58 =	vld [tilespmem:s24+$0x188A0]  }
0x1fd: {  	[tilespmem:s24+$0x1A880] =	vst v0  }
0x1fe: {  	v1 =	vld.idx.msk [tilespmem:v57+s6+$0x0], $0xffff;
	_ =	sdelay $0x3  }
0x1ff: {  	v59 =	vld [tilespmem:s24+$0x188B0]  }
0x200: {  	[tilespmem:s24+$0x1A890] =	vst v1  }
0x201: {  	v0 =	vld.idx.msk [tilespmem:v58+s6+$0x0], $0xffff;
	_ =	sdelay $0x3  }
0x202: {  	v60 =	vld [tilespmem:s24+$0x188C0]  }
0x203: {  	[tilespmem:s24+$0x1A8A0] =	vst v0  }
0x204: {  	v1 =	vld.idx.msk [tilespmem:v59+s6+$0x0], $0xffff;
	_ =	sdelay $0x3  }
0x205: {  	v61 =	vld [tilespmem:s24+$0x188D0]  }
0x206: {  	[tilespmem:s24+$0x1A8B0] =	vst v1  }
0x207: {  	v0 =	vld.idx.msk [tilespmem:v60+s6+$0x0], $0xffff;
	_ =	sdelay $0x3  }
0x208: {  	v62 =	vld [tilespmem:s24+$0x188E0]  }
0x209: {  	[tilespmem:s24+$0x1A8C0] =	vst v0  }
0x20a: {  	v1 =	vld.idx.msk [tilespmem:v61+s6+$0x0], $0xffff;
	_ =	sdelay $0x3  }
0x20b: {  	v63 =	vld [tilespmem:s24+$0x188F0]  }
0x20c: {  	[tilespmem:s24+$0x1A8D0] =	vst v1  }
0x20d: {  	v0 =	vld.idx.msk [tilespmem:v62+s6+$0x0], $0xffff;
	_ =	sdelay $0x4  }
0x20e: {  	[tilespmem:s24+$0x1A8E0] =	vst v0  }
0x20f: {  	v0 =	vld.idx.msk [tilespmem:v63+s6+$0x0], $0xffff;
	_ =	sdelay $0x2  }
0x210: {  	s20 =	sor.u32 s21, s20  }
0x211: {  	s20 =	sshrl.u32 s20, $0x3  }
.Ltmp8:
0x212: {  	s20 =	sadd.s32 s8, s20;
	[tilespmem:s24+$0x1A8F0] =	vst v0;
	(pc) =	sbr.rel @p1 .LBB2_8-.Ltmp8, $4  }
0x213: {  	[hbm4b:s20+s12] =	stream.strided.scatter [tilespmem:s16], [sflag:$0x1], $0x2000, s13, s12, $0x38;
	[tilespmem:$0x1C700] =	vst v63  }
0x214: {  	_ =	swait.ge [sflag:s14], $0x2000  }
0x215: {  	[sflag:s14] =	ssyncset.done $0x0  }
0x216: {  	p2 =	por $0x0, $0x0;
	s20 =	simm.s32 $0x10000;
	[sflag:s14] =	ssyncadd.s32 $0xFFFFE000  }
0x217: {  	s19 =	sadd.s32 $0x1, s19  }
0x218: {  	p1 =	sne.s32 s19, $0xD  }
.Ltmp9:
0x219: {  	_ = 	snop;
	(pc) =	sbr.rel @p1 .LBB2_7-.Ltmp9, $4  }
.Ltmp10:
0x21a: {  	_ = 	snop;
	(pc) =	sbr.rel @!p1 .LBB2_12-.Ltmp10, $4  }
0x21b: {  	_ = 	snop  }
0x21c: {  	_ = 	snop  }
0x21d: {  	_ = 	snop  }
0x21e: {  	_ = 	snop  }
.LBB2_13:
0x21f: {  	_ =	sfence.sel $0x180000  }
0x220: {  	[bflag:$0x0] =	sbarrier.arrive $0xFFFF  }
0x221: {  	p0 =	sne.s32 s5, $0x0;
	_ =	strace $0x90000047  }
0x222: {  	s0 =	sadd.s32 @!p0 $0x100000, s0;
	[bflag:$0x2] =	sbarrier.arrive $0xFFFF  }
0x223: {  	[sflag:s0] =	ssyncadd.tile.s32 @!p0 $0x1;
	_ =	shalt  }
.Lfunc_end2:
_tile_overlayer_lowered:
.L_overlay_start_2:
0x224: {  	(tag) =	ssettag $0x2  }
0x225: {  	s0 =	rddreg [dreg:$0x0];
	s2 =	stileid.u32  }
0x226: {  	s1 =	rddreg [dreg:$0x1];
	p0 =	sne.s32 s2, $0x0  }
0x227: {  	s3 =	rddreg [dreg:$0x2];
	[bflag:$0x3] =	sbarrier.arrive $0xFFFF;
	s2 =	simm.s32 @!p0 $0x1C01  }
0x228: {  	[timem:s3], [sflag:s2] =	dma.local @!p0 [hbm:s0], s1  }
0x229: {  	s0 =	simm.s32 @!p0 $0x1  }
0x22a: {  	_ =	swait.ge @!p0 [sflag:s0], s1  }
0x22b: {  	s1 =	ssub.s32 @!p0 $0x0, s1;
	[sflag:s0] =	ssyncset.done @!p0 $0x0  }
0x22c: {  	[sflag:s0] =	ssyncadd.s32 @!p0 s1  }
0x22d: {  	[bflag:$0x3] =	sbarrier.arrive $0xFFFF  }
0x22e: {  	_ =	shalt  }

</sc_bundles>
